<compile_context>
chip_gen: v7x
topology: tpu7x:2x2x1
jax: 0.10.2.dev20260603
libtpu: 0.0.44.dev20260713+nightly
codegen_flags: <defaults>
</compile_context>

<pallas_src>
import functools

import jax
import jax.numpy as jnp
from jax import lax
from jax.experimental import pallas as pl
from jax.experimental.pallas import tpu as pltpu
from jax.experimental.pallas import tpu_sc as plsc

M = 48
CH = 256


def _router_body(x_ref, wr_ref, inv_ref, cw_ref, be_ref, bm_ref):
    n, d = x_ref.shape
    e = wr_ref.shape[0]
    nb = be_ref.shape[0]
    x = x_ref[...]
    wr = wr_ref[...]
    logits = lax.dot_general(x, wr, (((1,), (1,)), ((), ())),
                             preferred_element_type=jnp.float32)
    m = jnp.max(logits, axis=1, keepdims=True)
    s = jnp.sum(jnp.exp(logits - m), axis=1)
    top = 1.0 / s
    cw_ref[...] = top / (top + 1e-8)
    iota_e = lax.broadcasted_iota(jnp.int32, (n, e), 1)
    eid = jnp.min(jnp.where(logits >= m, iota_e, e), axis=1)
    oh = (iota_e == eid[:, None]).astype(jnp.float32)
    ir = lax.broadcasted_iota(jnp.int32, (CH, CH), 0)
    jr = lax.broadcasted_iota(jnp.int32, (CH, CH), 1)
    ls = (jr < ir).astype(jnp.float32)
    rank_rows = []
    carry = jnp.zeros((1, e), jnp.float32)
    for c in range(n // CH):
        oh_c = oh[c * CH:(c + 1) * CH, :]
        r_c = lax.dot_general(ls, oh_c, (((1,), (0,)), ((), ())),
                              preferred_element_type=jnp.float32)
        rank_rows.append(r_c + carry)
        carry = carry + jnp.sum(oh_c, axis=0, keepdims=True)
    rank = jnp.concatenate(rank_rows, axis=0)
    counts = carry
    pcb = jnp.floor((counts + (M - 1)) / M)
    iu = lax.broadcasted_iota(jnp.int32, (e, e), 0)
    ju = lax.broadcasted_iota(jnp.int32, (e, e), 1)
    ut = (iu <= ju).astype(jnp.float32)
    cumb = lax.dot_general(pcb, ut, (((1,), (0,)), ((), ())),
                           preferred_element_type=jnp.float32)
    poff = (cumb - pcb) * M
    pos = jnp.sum(oh * (rank + poff), axis=1)
    inv_ref[...] = pos.astype(jnp.int32)
    used = cumb[:, e - 1:e]
    bi = lax.broadcasted_iota(jnp.int32, (nb, e), 0).astype(jnp.float32)
    bi = jnp.minimum(bi, used - 1.0)
    cnt = jnp.sum((cumb <= bi).astype(jnp.int32), axis=1)
    be_ref[...] = jnp.minimum(cnt, e - 1).astype(jnp.int32)
    bm_ref[...] = bi[:, 0].astype(jnp.int32)


def _router(xf, Wr, nb):
    n = xf.shape[0]
    return pl.pallas_call(
        _router_body,
        out_shape=(jax.ShapeDtypeStruct((n,), jnp.int32),
                   jax.ShapeDtypeStruct((n,), jnp.float32),
                   jax.ShapeDtypeStruct((nb,), jnp.int32),
                   jax.ShapeDtypeStruct((nb,), jnp.int32)),
    )(xf, Wr)


def _sc_gather(table, idx, chunk):
    v, d = table.shape
    b = idx.shape[0]
    info = plsc.get_sparse_core_info()
    nc = info.num_cores
    nw = nc * info.num_subcores
    b_per_w = b // nw
    nchunks = b_per_w // chunk
    mesh = plsc.VectorSubcoreMesh(core_axis_name="c", subcore_axis_name="s")

    @functools.partial(
        pl.kernel, mesh=mesh,
        out_type=jax.ShapeDtypeStruct((b, d), jnp.float32),
        scratch_types=[
            pltpu.VMEM((chunk,), jnp.int32),
            pltpu.VMEM((chunk, d), jnp.float32),
            pltpu.SemaphoreType.DMA,
        ],
    )
    def k(table_hbm, idx_hbm, out_hbm, idx_v, rows_v, sem):
        wid = lax.axis_index("s") * nc + lax.axis_index("c")
        base = wid * b_per_w
        for c in range(nchunks):
            o = base + c * chunk
            pltpu.sync_copy(idx_hbm.at[pl.ds(o, chunk)], idx_v)
            pltpu.async_copy(table_hbm.at[idx_v], rows_v, sem).wait()
            pltpu.sync_copy(rows_v, out_hbm.at[pl.ds(o, chunk)])

    return k(table, idx)


def _sc_scatter(rows, idx, npad, chunk):
    n, d = rows.shape
    info = plsc.get_sparse_core_info()
    nc = info.num_cores
    nw = nc * info.num_subcores
    n_per_w = n // nw
    nchunks = n_per_w // chunk
    mesh = plsc.VectorSubcoreMesh(core_axis_name="c", subcore_axis_name="s")

    @functools.partial(
        pl.kernel, mesh=mesh,
        out_type=jax.ShapeDtypeStruct((npad, d), jnp.float32),
        scratch_types=[
            pltpu.VMEM((chunk,), jnp.int32),
            pltpu.VMEM((chunk, d), jnp.float32),
            pltpu.SemaphoreType.DMA,
        ],
    )
    def k(rows_hbm, idx_hbm, out_hbm, idx_v, rows_v, sem):
        wid = lax.axis_index("s") * nc + lax.axis_index("c")
        base = wid * n_per_w
        for c in range(nchunks):
            o = base + c * chunk
            pltpu.sync_copy(idx_hbm.at[pl.ds(o, chunk)], idx_v)
            pltpu.sync_copy(rows_hbm.at[pl.ds(o, chunk)], rows_v)
            pltpu.async_copy(rows_v, out_hbm.at[idx_v], sem).wait()

    return k(rows, idx)


def _ffn_body(be_ref, xs_ref, wg_ref, wu_ref, wd_ref, out_ref):
    xb = xs_ref[...].astype(jnp.bfloat16)
    wg = wg_ref[0].astype(jnp.bfloat16)
    wu = wu_ref[0].astype(jnp.bfloat16)
    wd = wd_ref[0].astype(jnp.bfloat16)
    g = lax.dot_general(xb, wg, (((1,), (1,)), ((), ())),
                        preferred_element_type=jnp.float32)
    u = lax.dot_general(xb, wu, (((1,), (1,)), ((), ())),
                        preferred_element_type=jnp.float32)
    h = (g * jax.nn.sigmoid(g) * u).astype(jnp.bfloat16)
    out_ref[...] = lax.dot_general(h, wd, (((1,), (1,)), ((), ())),
                                   preferred_element_type=jnp.float32)


def _ffn(bebm, xs, Wg, Wu, Wd):
    nb = bebm.shape[1]
    npad, d = xs.shape
    e, f, _ = Wg.shape
    grid_spec = pltpu.PrefetchScalarGridSpec(
        num_scalar_prefetch=1,
        grid=(nb,),
        in_specs=[
            pl.BlockSpec((M, d), lambda b, s: (s[1, b], 0)),
            pl.BlockSpec((1, f, d), lambda b, s: (s[0, b], 0, 0)),
            pl.BlockSpec((1, f, d), lambda b, s: (s[0, b], 0, 0)),
            pl.BlockSpec((1, d, f), lambda b, s: (s[0, b], 0, 0)),
        ],
        out_specs=pl.BlockSpec((M, d), lambda b, s: (s[1, b], 0)),
    )
    return pl.pallas_call(
        _ffn_body,
        grid_spec=grid_spec,
        out_shape=jax.ShapeDtypeStruct((npad, d), jnp.float32),
    )(bebm, xs, Wg, Wu, Wd)


def _shared_body(x_ref, moe_ref, cw_ref, wgs_ref, wus_ref, wds_ref, out_ref):
    xb = x_ref[...].astype(jnp.bfloat16)
    wgs = wgs_ref[...].astype(jnp.bfloat16)
    wus = wus_ref[...].astype(jnp.bfloat16)
    wds = wds_ref[...].astype(jnp.bfloat16)
    g = lax.dot_general(xb, wgs, (((1,), (1,)), ((), ())),
                        preferred_element_type=jnp.float32)
    u = lax.dot_general(xb, wus, (((1,), (1,)), ((), ())),
                        preferred_element_type=jnp.float32)
    h = (g * jax.nn.sigmoid(g) * u).astype(jnp.bfloat16)
    o = lax.dot_general(h, wds, (((1,), (1,)), ((), ())),
                        preferred_element_type=jnp.float32)
    out_ref[...] = moe_ref[...] * cw_ref[0, 0, :][:, None] + o


def _shared(xf, moe, cw3, Wgs, Wus, Wds):
    n, d = xf.shape
    f = Wgs.shape[0]
    ms = 256
    return pl.pallas_call(
        _shared_body,
        grid=(n // ms,),
        in_specs=[
            pl.BlockSpec((ms, d), lambda i: (i, 0)),
            pl.BlockSpec((ms, d), lambda i: (i, 0)),
            pl.BlockSpec((1, 1, ms), lambda i: (i, 0, 0)),
            pl.BlockSpec((f, d), lambda i: (0, 0)),
            pl.BlockSpec((f, d), lambda i: (0, 0)),
            pl.BlockSpec((d, f), lambda i: (0, 0)),
        ],
        out_specs=pl.BlockSpec((ms, d), lambda i: (i, 0)),
        out_shape=jax.ShapeDtypeStruct((n, d), jnp.float32),
    )(xf, moe, cw3, Wgs, Wus, Wds)


def kernel(x, Wr, Wg, Wu, Wd, Wgs, Wus, Wds):
    b, t, d = x.shape
    n = b * t
    e, f, _ = Wg.shape
    nb = n // M + e
    npad = nb * M
    xf = x.reshape(n, d)
    inv, cw, be, bm = _router(xf, Wr, nb)
    xs = _sc_scatter(xf, inv, npad, 64)
    outs = _ffn(jnp.stack([be, bm]), xs, Wg, Wu, Wd)
    moe = _sc_gather(outs, inv, 64)
    cw3 = cw.reshape(n // 256, 1, 256)
    out = _shared(xf, moe, cw3, Wgs, Wus, Wds)
    return out.reshape(b, t, d)

# --- scband reference (transcript-rebuilt; emitter-appended) ---
"""Pipeline reference for scband-mo-elayer-27298812133635 (READ-ONLY COPY).

The authoritative reference and input builder live on the scoring server;
editing this copy changes nothing except your own understanding.
"""

import jax, jax.numpy as jnp
import numpy as np

B = 1
T = 2048
D_MODEL = 1024
D_FF = 256
E = 64
TOP_K = 1


def setup_inputs(seed: int = 0) -> dict:
    key = jax.random.key(seed)
    ks = jax.random.split(key, 8)
    x = jax.random.normal(ks[0], (B, T, D_MODEL), dtype=jnp.float32)
    Wr = jax.random.normal(ks[1], (E, D_MODEL), dtype=jnp.float32) * 0.02
    Wg = jax.random.normal(ks[2], (E, D_FF, D_MODEL), dtype=jnp.float32) * 0.02
    Wu = jax.random.normal(ks[3], (E, D_FF, D_MODEL), dtype=jnp.float32) * 0.02
    Wd = jax.random.normal(ks[4], (E, D_MODEL, D_FF), dtype=jnp.float32) * 0.02
    Wgs = jax.random.normal(ks[5], (D_FF, D_MODEL), dtype=jnp.float32) * 0.02
    Wus = jax.random.normal(ks[6], (D_FF, D_MODEL), dtype=jnp.float32) * 0.02
    Wds = jax.random.normal(ks[7], (D_MODEL, D_FF), dtype=jnp.float32) * 0.02
    return {"x": x, "Wr": Wr, "Wg": Wg, "Wu": Wu, "Wd": Wd, "Wgs": Wgs, "Wus": Wus, "Wds": Wds}


def _moe(x, Wr, Wg, Wu, Wd, Wgs, Wus, Wds):
    Bb, Tt, Dd = x.shape
    xf = x.reshape(-1, Dd)
    # router (eval mode: router_bias is zeros and only added in training, so omitted)
    logits = xf @ Wr.T                              # [N, E]
    scores = jax.nn.softmax(logits, axis=-1)
    top_scores, top_idx = jax.lax.top_k(scores, TOP_K)  # [N, k]
    top_scores = top_scores / (jnp.sum(top_scores, axis=-1, keepdims=True) + 1e-08)
    # combine weights: [N, E], zero for unselected experts (matches masked torch loop)
    cw = jnp.sum(jax.nn.one_hot(top_idx, E, dtype=xf.dtype) * top_scores[..., None], axis=1)
    out = jnp.zeros_like(xf)
    for e in range(E):
        h = jax.nn.silu(xf @ Wg[e].T) * (xf @ Wu[e].T)
        out = out + cw[:, e:e + 1] * (h @ Wd[e].T)
    # shared (always-active) expert
    hs = jax.nn.silu(xf @ Wgs.T) * (xf @ Wus.T)
    out = out + hs @ Wds.T
    return out.reshape(Bb, Tt, Dd)


def reference(x, Wr, Wg, Wu, Wd, Wgs, Wus, Wds):
    return _moe(x, Wr, Wg, Wu, Wd, Wgs, Wus, Wds)

if __name__ == "__main__":
    import jax
    _d = setup_inputs()
    print(jax.jit(kernel)(*tuple(_d.values())))

</pallas_src>

<mosaic_0001>
#map = affine_map<(d0, d1) -> (0, 0)>
#map1 = affine_map<(d0, d1) -> (0)>
module attributes {stable_mosaic.version = 14 : i64} {
  func.func @k(%arg0: i32, %arg1: i32, %arg2: memref<5088x1024xf32, #tpu.memory_space<hbm>>, %arg3: memref<2048xi32, #tpu.memory_space<hbm>>, %arg4: memref<2048x1024xf32, #tpu.memory_space<hbm>>, %arg5: memref<64xi32, #tpu.memory_space<vmem>>, %arg6: memref<64x1024xf32, #tpu.memory_space<vmem>>, %arg7: memref<!tpu.dma_semaphore, #tpu.memory_space<semaphore_mem>>) attributes {dimension_semantics = [#tpu.dimension_semantics<core_parallel>, #tpu.dimension_semantics<subcore_parallel>], iteration_bounds = array<i64: 2, 16>, scalar_prefetch = 0 : i64, scratch_operands = 3 : i64, tpu.core_type = #tpu.core_type<sc_vector_subcore>, window_params = [{transform_indices = #map}, {transform_indices = #map1}, {transform_indices = #map}]} {
    %mul3A = arith.constant 2 : i32
    %mul3A_0 = arith.muli %arg1, %mul3A : i32
    %add3A = arith.addi %mul3A_0, %arg0 : i32
    %mul3A_1 = arith.constant 64 : i32
    %mul3A_2 = arith.muli %add3A, %mul3A_1 : i32
    %add3A_3 = arith.constant 0 : i32
    %add3A_4 = arith.addi %mul3A_2, %add3A_3 : i32
    "tpu.region"() ({
      %run_scoped3A = tpu.sem_alloc : memref<!tpu.dma_semaphore, #tpu.memory_space<semaphore_mem>>
      %dma_start3A_9 = tpu.memref_slice %arg3[%add3A_4] : memref<2048xi32, #tpu.memory_space<hbm>> -> memref<64xi32, #tpu.memory_space<hbm>>
      %dma_start3A_10 = tpu.memref_slice %arg3[%add3A_4] : memref<2048xi32, #tpu.memory_space<hbm>> -> memref<64xi32, #tpu.memory_space<hbm>>
      tpu.enqueue_dma source(%dma_start3A_10 : memref<64xi32, #tpu.memory_space<hbm>>) target(%arg5 : memref<64xi32, #tpu.memory_space<vmem>>) target_semaphore(%run_scoped3A : memref<!tpu.dma_semaphore, #tpu.memory_space<semaphore_mem>>)
      %dma_wait3A_11 = tpu.memref_slice %arg3[%add3A_4] : memref<2048xi32, #tpu.memory_space<hbm>> -> memref<64xi32, #tpu.memory_space<hbm>>
      %dma_wait3A_12 = tpu.memref_slice %arg3[%add3A_4] : memref<2048xi32, #tpu.memory_space<hbm>> -> memref<64xi32, #tpu.memory_space<hbm>>
      tpu.wait_dma2 semaphore(%run_scoped3A : memref<!tpu.dma_semaphore, #tpu.memory_space<semaphore_mem>>) src(%dma_wait3A_12 : memref<64xi32, #tpu.memory_space<hbm>>) dst(%arg5 : memref<64xi32, #tpu.memory_space<vmem>>)
      tpu.yield
    }) : () -> ()
    %dma_start3A = arith.constant 0 : i32
    %dma_start3A_5 = arith.constant 0 : i32
    %dma_start3A_6 = tpu.memref_slice %arg2[%dma_start3A, %dma_start3A_5] : memref<5088x1024xf32, #tpu.memory_space<hbm>> -> memref<5088x1024xf32, #tpu.memory_space<hbm>>
    tpu.enqueue_indirect_dma source(%dma_start3A_6 : memref<5088x1024xf32, #tpu.memory_space<hbm>>) target(%arg6 : memref<64x1024xf32, #tpu.memory_space<vmem>>) offsets(%arg5 : memref<64xi32, #tpu.memory_space<vmem>>) semaphore(%arg7 : memref<!tpu.dma_semaphore, #tpu.memory_space<semaphore_mem>>)
    %dma_wait3A = arith.constant 0 : i32
    %dma_wait3A_7 = arith.constant 0 : i32
    %dma_wait3A_8 = tpu.memref_slice %arg2[%dma_wait3A, %dma_wait3A_7] : memref<5088x1024xf32, #tpu.memory_space<hbm>> -> memref<5088x1024xf32, #tpu.memory_space<hbm>>
    tpu.wait_indirect_dma semaphore(%arg7 : memref<!tpu.dma_semaphore, #tpu.memory_space<semaphore_mem>>) src(%dma_wait3A_8 : memref<5088x1024xf32, #tpu.memory_space<hbm>>) dst(%arg6 : memref<64x1024xf32, #tpu.memory_space<vmem>>)
    "tpu.region"() ({
      %run_scoped3A = tpu.sem_alloc : memref<!tpu.dma_semaphore, #tpu.memory_space<semaphore_mem>>
      %dma_start3A_9 = arith.constant 0 : i32
      %dma_start3A_10 = tpu.memref_slice %arg4[%add3A_4, %dma_start3A_9] : memref<2048x1024xf32, #tpu.memory_space<hbm>> -> memref<64x1024xf32, #tpu.memory_space<hbm>>
      %dma_start3A_11 = arith.constant 0 : i32
      %dma_start3A_12 = tpu.memref_slice %arg4[%add3A_4, %dma_start3A_11] : memref<2048x1024xf32, #tpu.memory_space<hbm>> -> memref<64x1024xf32, #tpu.memory_space<hbm>>
      tpu.enqueue_dma source(%arg6 : memref<64x1024xf32, #tpu.memory_space<vmem>>) target(%dma_start3A_12 : memref<64x1024xf32, #tpu.memory_space<hbm>>) target_semaphore(%run_scoped3A : memref<!tpu.dma_semaphore, #tpu.memory_space<semaphore_mem>>)
      %dma_wait3A_13 = arith.constant 0 : i32
      %dma_wait3A_14 = tpu.memref_slice %arg4[%add3A_4, %dma_wait3A_13] : memref<2048x1024xf32, #tpu.memory_space<hbm>> -> memref<64x1024xf32, #tpu.memory_space<hbm>>
      %dma_wait3A_15 = arith.constant 0 : i32
      %dma_wait3A_16 = tpu.memref_slice %arg4[%add3A_4, %dma_wait3A_15] : memref<2048x1024xf32, #tpu.memory_space<hbm>> -> memref<64x1024xf32, #tpu.memory_space<hbm>>
      tpu.wait_dma2 semaphore(%run_scoped3A : memref<!tpu.dma_semaphore, #tpu.memory_space<semaphore_mem>>) src(%arg6 : memref<64x1024xf32, #tpu.memory_space<vmem>>) dst(%dma_wait3A_16 : memref<64x1024xf32, #tpu.memory_space<hbm>>)
      tpu.yield
    }) : () -> ()
    return
  }
}

#map = affine_map<(d0, d1) -> (0, 0)>
#map1 = affine_map<(d0, d1) -> (0)>
module attributes {stable_mosaic.version = 14 : i64} {
  func.func @k(%arg0: i32, %arg1: i32, %arg2: memref<2048x1024xf32, #tpu.memory_space<hbm>>, %arg3: memref<2048xi32, #tpu.memory_space<hbm>>, %arg4: memref<5088x1024xf32, #tpu.memory_space<hbm>>, %arg5: memref<64xi32, #tpu.memory_space<vmem>>, %arg6: memref<64x1024xf32, #tpu.memory_space<vmem>>, %arg7: memref<!tpu.dma_semaphore, #tpu.memory_space<semaphore_mem>>) attributes {dimension_semantics = [#tpu.dimension_semantics<core_parallel>, #tpu.dimension_semantics<subcore_parallel>], iteration_bounds = array<i64: 2, 16>, scalar_prefetch = 0 : i64, scratch_operands = 3 : i64, tpu.core_type = #tpu.core_type<sc_vector_subcore>, window_params = [{transform_indices = #map}, {transform_indices = #map1}, {transform_indices = #map}]} {
    %mul3A = arith.constant 2 : i32
    %mul3A_0 = arith.muli %arg1, %mul3A : i32
    %add3A = arith.addi %mul3A_0, %arg0 : i32
    %mul3A_1 = arith.constant 64 : i32
    %mul3A_2 = arith.muli %add3A, %mul3A_1 : i32
    %add3A_3 = arith.constant 0 : i32
    %add3A_4 = arith.addi %mul3A_2, %add3A_3 : i32
    "tpu.region"() ({
      %run_scoped3A = tpu.sem_alloc : memref<!tpu.dma_semaphore, #tpu.memory_space<semaphore_mem>>
      %dma_start3A_9 = tpu.memref_slice %arg3[%add3A_4] : memref<2048xi32, #tpu.memory_space<hbm>> -> memref<64xi32, #tpu.memory_space<hbm>>
      %dma_start3A_10 = tpu.memref_slice %arg3[%add3A_4] : memref<2048xi32, #tpu.memory_space<hbm>> -> memref<64xi32, #tpu.memory_space<hbm>>
      tpu.enqueue_dma source(%dma_start3A_10 : memref<64xi32, #tpu.memory_space<hbm>>) target(%arg5 : memref<64xi32, #tpu.memory_space<vmem>>) target_semaphore(%run_scoped3A : memref<!tpu.dma_semaphore, #tpu.memory_space<semaphore_mem>>)
      %dma_wait3A_11 = tpu.memref_slice %arg3[%add3A_4] : memref<2048xi32, #tpu.memory_space<hbm>> -> memref<64xi32, #tpu.memory_space<hbm>>
      %dma_wait3A_12 = tpu.memref_slice %arg3[%add3A_4] : memref<2048xi32, #tpu.memory_space<hbm>> -> memref<64xi32, #tpu.memory_space<hbm>>
      tpu.wait_dma2 semaphore(%run_scoped3A : memref<!tpu.dma_semaphore, #tpu.memory_space<semaphore_mem>>) src(%dma_wait3A_12 : memref<64xi32, #tpu.memory_space<hbm>>) dst(%arg5 : memref<64xi32, #tpu.memory_space<vmem>>)
      tpu.yield
    }) : () -> ()
    "tpu.region"() ({
      %run_scoped3A = tpu.sem_alloc : memref<!tpu.dma_semaphore, #tpu.memory_space<semaphore_mem>>
      %dma_start3A_9 = arith.constant 0 : i32
      %dma_start3A_10 = tpu.memref_slice %arg2[%add3A_4, %dma_start3A_9] : memref<2048x1024xf32, #tpu.memory_space<hbm>> -> memref<64x1024xf32, #tpu.memory_space<hbm>>
      %dma_start3A_11 = arith.constant 0 : i32
      %dma_start3A_12 = tpu.memref_slice %arg2[%add3A_4, %dma_start3A_11] : memref<2048x1024xf32, #tpu.memory_space<hbm>> -> memref<64x1024xf32, #tpu.memory_space<hbm>>
      tpu.enqueue_dma source(%dma_start3A_12 : memref<64x1024xf32, #tpu.memory_space<hbm>>) target(%arg6 : memref<64x1024xf32, #tpu.memory_space<vmem>>) target_semaphore(%run_scoped3A : memref<!tpu.dma_semaphore, #tpu.memory_space<semaphore_mem>>)
      %dma_wait3A_13 = arith.constant 0 : i32
      %dma_wait3A_14 = tpu.memref_slice %arg2[%add3A_4, %dma_wait3A_13] : memref<2048x1024xf32, #tpu.memory_space<hbm>> -> memref<64x1024xf32, #tpu.memory_space<hbm>>
      %dma_wait3A_15 = arith.constant 0 : i32
      %dma_wait3A_16 = tpu.memref_slice %arg2[%add3A_4, %dma_wait3A_15] : memref<2048x1024xf32, #tpu.memory_space<hbm>> -> memref<64x1024xf32, #tpu.memory_space<hbm>>
      tpu.wait_dma2 semaphore(%run_scoped3A : memref<!tpu.dma_semaphore, #tpu.memory_space<semaphore_mem>>) src(%dma_wait3A_16 : memref<64x1024xf32, #tpu.memory_space<hbm>>) dst(%arg6 : memref<64x1024xf32, #tpu.memory_space<vmem>>)
      tpu.yield
    }) : () -> ()
    %dma_start3A = arith.constant 0 : i32
    %dma_start3A_5 = arith.constant 0 : i32
    %dma_start3A_6 = tpu.memref_slice %arg4[%dma_start3A, %dma_start3A_5] : memref<5088x1024xf32, #tpu.memory_space<hbm>> -> memref<5088x1024xf32, #tpu.memory_space<hbm>>
    tpu.enqueue_indirect_dma source(%arg6 : memref<64x1024xf32, #tpu.memory_space<vmem>>) target(%dma_start3A_6 : memref<5088x1024xf32, #tpu.memory_space<hbm>>) offsets(%arg5 : memref<64xi32, #tpu.memory_space<vmem>>) semaphore(%arg7 : memref<!tpu.dma_semaphore, #tpu.memory_space<semaphore_mem>>)
    %dma_wait3A = arith.constant 0 : i32
    %dma_wait3A_7 = arith.constant 0 : i32
    %dma_wait3A_8 = tpu.memref_slice %arg4[%dma_wait3A, %dma_wait3A_7] : memref<5088x1024xf32, #tpu.memory_space<hbm>> -> memref<5088x1024xf32, #tpu.memory_space<hbm>>
    tpu.wait_indirect_dma semaphore(%arg7 : memref<!tpu.dma_semaphore, #tpu.memory_space<semaphore_mem>>) src(%arg6 : memref<64x1024xf32, #tpu.memory_space<vmem>>) dst(%dma_wait3A_8 : memref<5088x1024xf32, #tpu.memory_space<hbm>>)
    return
  }
}

module attributes {stable_mosaic.version = 14 : i64} {
  func.func @_ffn_body(%arg0: i32, %arg1: memref<2x106xi32, #tpu.memory_space<smem>>, %arg2: memref<48x1024xf32, #tpu.memory_space<vmem>>, %arg3: memref<1x256x1024xf32, #tpu.memory_space<vmem>>, %arg4: memref<1x256x1024xf32, #tpu.memory_space<vmem>>, %arg5: memref<1x1024x256xf32, #tpu.memory_space<vmem>>, %arg6: memref<48x1024xf32, #tpu.memory_space<vmem>>) attributes {dimension_semantics = [#tpu.dimension_semantics<arbitrary>], iteration_bounds = array<i64: 106>, scalar_prefetch = 1 : i64, scratch_operands = 0 : i64, tpu.core_type = #tpu.core_type<tc>, window_params = [{transform_indices = @transform_0, window_bounds = array<i64: 48, 1024>}, {transform_indices = @transform_1, window_bounds = array<i64: 1, 256, 1024>}, {transform_indices = @transform_2, window_bounds = array<i64: 1, 256, 1024>}, {transform_indices = @transform_3, window_bounds = array<i64: 1, 1024, 256>}, {transform_indices = @transform_4, window_bounds = array<i64: 48, 1024>}]} {
    %get3A = arith.constant 0 : index
    %get3A_0 = arith.constant 0 : index
    %get3A_1 = vector.load %arg2[%get3A, %get3A_0] : memref<48x1024xf32, #tpu.memory_space<vmem>>, vector<48x1024xf32>
    %convert_element_type3A = arith.truncf %get3A_1 : vector<48x1024xf32> to vector<48x1024xbf16>
    %get3A_2 = arith.constant 0 : index
    %get3A_3 = arith.constant 0 : index
    %get3A_4 = arith.constant 0 : index
    %get3A_5 = vector.load %arg3[%get3A_2, %get3A_3, %get3A_4] : memref<1x256x1024xf32, #tpu.memory_space<vmem>>, vector<1x256x1024xf32>
    %get3A_6 = vector.shape_cast %get3A_5 : vector<1x256x1024xf32> to vector<256x1024xf32>
    %convert_element_type3A_7 = arith.truncf %get3A_6 : vector<256x1024xf32> to vector<256x1024xbf16>
    %get3A_8 = arith.constant 0 : index
    %get3A_9 = arith.constant 0 : index
    %get3A_10 = arith.constant 0 : index
    %get3A_11 = vector.load %arg4[%get3A_8, %get3A_9, %get3A_10] : memref<1x256x1024xf32, #tpu.memory_space<vmem>>, vector<1x256x1024xf32>
    %get3A_12 = vector.shape_cast %get3A_11 : vector<1x256x1024xf32> to vector<256x1024xf32>
    %convert_element_type3A_13 = arith.truncf %get3A_12 : vector<256x1024xf32> to vector<256x1024xbf16>
    %get3A_14 = arith.constant 0 : index
    %get3A_15 = arith.constant 0 : index
    %get3A_16 = arith.constant 0 : index
    %get3A_17 = vector.load %arg5[%get3A_14, %get3A_15, %get3A_16] : memref<1x1024x256xf32, #tpu.memory_space<vmem>>, vector<1x1024x256xf32>
    %get3A_18 = vector.shape_cast %get3A_17 : vector<1x1024x256xf32> to vector<1024x256xf32>
    %convert_element_type3A_19 = arith.truncf %get3A_18 : vector<1024x256xf32> to vector<1024x256xbf16>
    %dot_general3A = arith.constant dense<0.000000e+00> : vector<48x256xf32>
    %dot_general3A_20 = tpu.matmul %convert_element_type3A, %convert_element_type3A_7, %dot_general3A {dimension_numbers = #tpu.dot_dimension_numbers<[1], [1], [0], [0], [0, 0, 1, 0], [], []>, transpose_lhs_hint = false} : vector<48x1024xbf16>, vector<256x1024xbf16>, vector<48x256xf32> -> vector<48x256xf32>
    %dot_general3A_21 = arith.constant dense<0.000000e+00> : vector<48x256xf32>
    %dot_general3A_22 = tpu.matmul %convert_element_type3A, %convert_element_type3A_13, %dot_general3A_21 {dimension_numbers = #tpu.dot_dimension_numbers<[1], [1], [0], [0], [0, 0, 1, 0], [], []>, transpose_lhs_hint = false} : vector<48x1024xbf16>, vector<256x1024xbf16>, vector<48x256xf32> -> vector<48x256xf32>
    %logistic3A = arith.negf %dot_general3A_20 : vector<48x256xf32>
    %logistic3A_23 = math.exp %logistic3A : vector<48x256xf32>
    %logistic3A_24 = arith.constant 1.000000e+00 : f32
    %logistic3A_25 = vector.broadcast %logistic3A_24 : f32 to vector<48x256xf32>
    %logistic3A_26 = arith.addf %logistic3A_25, %logistic3A_23 : vector<48x256xf32>
    %logistic3A_27 = arith.divf %logistic3A_25, %logistic3A_26 : vector<48x256xf32>
    %mul3A = arith.mulf %dot_general3A_20, %logistic3A_27 : vector<48x256xf32>
    %mul3A_28 = arith.mulf %mul3A, %dot_general3A_22 : vector<48x256xf32>
    %convert_element_type3A_29 = arith.truncf %mul3A_28 : vector<48x256xf32> to vector<48x256xbf16>
    %dot_general3A_30 = arith.constant dense<0.000000e+00> : vector<48x1024xf32>
    %dot_general3A_31 = tpu.matmul %convert_element_type3A_29, %convert_element_type3A_19, %dot_general3A_30 {dimension_numbers = #tpu.dot_dimension_numbers<[1], [1], [0], [0], [0, 0, 1, 0], [], []>, transpose_lhs_hint = false} : vector<48x256xbf16>, vector<1024x256xbf16>, vector<48x1024xf32> -> vector<48x1024xf32>
    %swap3A = arith.constant 0 : index
    %swap3A_32 = arith.constant 0 : index
    %swap3A_33 = vector.load %arg6[%swap3A, %swap3A_32] : memref<48x1024xf32, #tpu.memory_space<vmem>>, vector<48x1024xf32>
    tpu.vector_store %arg6[%swap3A, %swap3A_32], %dot_general3A_31 {strides = array<i32>} : memref<48x1024xf32, #tpu.memory_space<vmem>>, vector<48x1024xf32>,
    return
  }
  func.func @transform_0(%arg0: i32, %arg1: memref<2x106xi32, #tpu.memory_space<smem>>) -> (i32, i32) {
    %get3A = arith.constant 1 : index
    %get3A_0 = arith.index_cast %arg0 : i32 to index
    %get3A_1 = memref.load %arg1[%get3A, %get3A_0] : memref<2x106xi32, #tpu.memory_space<smem>>
    %c0_i32 = arith.constant 0 : i32
    %c0_i32_2 = arith.constant 0 : i32
    return %get3A_1, %c0_i32 : i32, i32
  }
  func.func @transform_1(%arg0: i32, %arg1: memref<2x106xi32, #tpu.memory_space<smem>>) -> (i32, i32, i32) {
    %get3A = arith.constant 0 : index
    %get3A_0 = arith.index_cast %arg0 : i32 to index
    %get3A_1 = memref.load %arg1[%get3A, %get3A_0] : memref<2x106xi32, #tpu.memory_space<smem>>
    %c0_i32 = arith.constant 0 : i32
    %c0_i32_2 = arith.constant 0 : i32
    %c0_i32_3 = arith.constant 0 : i32
    return %get3A_1, %c0_i32, %c0_i32_2 : i32, i32, i32
  }
  func.func @transform_2(%arg0: i32, %arg1: memref<2x106xi32, #tpu.memory_space<smem>>) -> (i32, i32, i32) {
    %get3A = arith.constant 0 : index
    %get3A_0 = arith.index_cast %arg0 : i32 to index
    %get3A_1 = memref.load %arg1[%get3A, %get3A_0] : memref<2x106xi32, #tpu.memory_space<smem>>
    %c0_i32 = arith.constant 0 : i32
    %c0_i32_2 = arith.constant 0 : i32
    %c0_i32_3 = arith.constant 0 : i32
    return %get3A_1, %c0_i32, %c0_i32_2 : i32, i32, i32
  }
  func.func @transform_3(%arg0: i32, %arg1: memref<2x106xi32, #tpu.memory_space<smem>>) -> (i32, i32, i32) {
    %get3A = arith.constant 0 : index
    %get3A_0 = arith.index_cast %arg0 : i32 to index
    %get3A_1 = memref.load %arg1[%get3A, %get3A_0] : memref<2x106xi32, #tpu.memory_space<smem>>
    %c0_i32 = arith.constant 0 : i32
    %c0_i32_2 = arith.constant 0 : i32
    %c0_i32_3 = arith.constant 0 : i32
    return %get3A_1, %c0_i32, %c0_i32_2 : i32, i32, i32
  }
  func.func @transform_4(%arg0: i32, %arg1: memref<2x106xi32, #tpu.memory_space<smem>>) -> (i32, i32) {
    %get3A = arith.constant 1 : index
    %get3A_0 = arith.index_cast %arg0 : i32 to index
    %get3A_1 = memref.load %arg1[%get3A, %get3A_0] : memref<2x106xi32, #tpu.memory_space<smem>>
    %c0_i32 = arith.constant 0 : i32
    %c0_i32_2 = arith.constant 0 : i32
    return %get3A_1, %c0_i32 : i32, i32
  }
}

module attributes {stable_mosaic.version = 14 : i64} {
  func.func @_shared_body(%arg0: i32, %arg1: memref<256x1024xf32, #tpu.memory_space<vmem>>, %arg2: memref<256x1024xf32, #tpu.memory_space<vmem>>, %arg3: memref<1x1x256xf32, #tpu.memory_space<vmem>>, %arg4: memref<256x1024xf32, #tpu.memory_space<vmem>>, %arg5: memref<256x1024xf32, #tpu.memory_space<vmem>>, %arg6: memref<1024x256xf32, #tpu.memory_space<vmem>>, %arg7: memref<256x1024xf32, #tpu.memory_space<vmem>>) attributes {dimension_semantics = [#tpu.dimension_semantics<arbitrary>], iteration_bounds = array<i64: 8>, scalar_prefetch = 0 : i64, scratch_operands = 0 : i64, tpu.core_type = #tpu.core_type<tc>, window_params = [{transform_indices = @transform_0, window_bounds = array<i64: 256, 1024>}, {transform_indices = @transform_1, window_bounds = array<i64: 256, 1024>}, {transform_indices = @transform_2, window_bounds = array<i64: 1, 1, 256>}, {pipeline_mode = #tpu.pipeline_mode<synchronous>, transform_indices = @transform_3, window_bounds = array<i64: 256, 1024>}, {pipeline_mode = #tpu.pipeline_mode<synchronous>, transform_indices = @transform_4, window_bounds = array<i64: 256, 1024>}, {pipeline_mode = #tpu.pipeline_mode<synchronous>, transform_indices = @transform_5, window_bounds = array<i64: 1024, 256>}, {transform_indices = @transform_6, window_bounds = array<i64: 256, 1024>}]} {
    %get3A = arith.constant 0 : index
    %get3A_0 = arith.constant 0 : index
    %get3A_1 = vector.load %arg1[%get3A, %get3A_0] : memref<256x1024xf32, #tpu.memory_space<vmem>>, vector<256x1024xf32>
    %convert_element_type3A = arith.truncf %get3A_1 : vector<256x1024xf32> to vector<256x1024xbf16>
    %get3A_2 = arith.constant 0 : index
    %get3A_3 = arith.constant 0 : index
    %get3A_4 = vector.load %arg4[%get3A_2, %get3A_3] : memref<256x1024xf32, #tpu.memory_space<vmem>>, vector<256x1024xf32>
    %convert_element_type3A_5 = arith.truncf %get3A_4 : vector<256x1024xf32> to vector<256x1024xbf16>
    %get3A_6 = arith.constant 0 : index
    %get3A_7 = arith.constant 0 : index
    %get3A_8 = vector.load %arg5[%get3A_6, %get3A_7] : memref<256x1024xf32, #tpu.memory_space<vmem>>, vector<256x1024xf32>
    %convert_element_type3A_9 = arith.truncf %get3A_8 : vector<256x1024xf32> to vector<256x1024xbf16>
    %get3A_10 = arith.constant 0 : index
    %get3A_11 = arith.constant 0 : index
    %get3A_12 = vector.load %arg6[%get3A_10, %get3A_11] : memref<1024x256xf32, #tpu.memory_space<vmem>>, vector<1024x256xf32>
    %convert_element_type3A_13 = arith.truncf %get3A_12 : vector<1024x256xf32> to vector<1024x256xbf16>
    %dot_general3A = arith.constant dense<0.000000e+00> : vector<256x256xf32>
    %dot_general3A_14 = tpu.matmul %convert_element_type3A, %convert_element_type3A_5, %dot_general3A {dimension_numbers = #tpu.dot_dimension_numbers<[1], [1], [0], [0], [0, 0, 1, 0], [], []>, transpose_lhs_hint = false} : vector<256x1024xbf16>, vector<256x1024xbf16>, vector<256x256xf32> -> vector<256x256xf32>
    %dot_general3A_15 = arith.constant dense<0.000000e+00> : vector<256x256xf32>
    %dot_general3A_16 = tpu.matmul %convert_element_type3A, %convert_element_type3A_9, %dot_general3A_15 {dimension_numbers = #tpu.dot_dimension_numbers<[1], [1], [0], [0], [0, 0, 1, 0], [], []>, transpose_lhs_hint = false} : vector<256x1024xbf16>, vector<256x1024xbf16>, vector<256x256xf32> -> vector<256x256xf32>
    %logistic3A = arith.negf %dot_general3A_14 : vector<256x256xf32>
    %logistic3A_17 = math.exp %logistic3A : vector<256x256xf32>
    %logistic3A_18 = arith.constant 1.000000e+00 : f32
    %logistic3A_19 = vector.broadcast %logistic3A_18 : f32 to vector<256x256xf32>
    %logistic3A_20 = arith.addf %logistic3A_19, %logistic3A_17 : vector<256x256xf32>
    %logistic3A_21 = arith.divf %logistic3A_19, %logistic3A_20 : vector<256x256xf32>
    %mul3A = arith.mulf %dot_general3A_14, %logistic3A_21 : vector<256x256xf32>
    %mul3A_22 = arith.mulf %mul3A, %dot_general3A_16 : vector<256x256xf32>
    %convert_element_type3A_23 = arith.truncf %mul3A_22 : vector<256x256xf32> to vector<256x256xbf16>
    %dot_general3A_24 = arith.constant dense<0.000000e+00> : vector<256x1024xf32>
    %dot_general3A_25 = tpu.matmul %convert_element_type3A_23, %convert_element_type3A_13, %dot_general3A_24 {dimension_numbers = #tpu.dot_dimension_numbers<[1], [1], [0], [0], [0, 0, 1, 0], [], []>, transpose_lhs_hint = false} : vector<256x256xbf16>, vector<1024x256xbf16>, vector<256x1024xf32> -> vector<256x1024xf32>
    %get3A_26 = arith.constant 0 : index
    %get3A_27 = arith.constant 0 : index
    %get3A_28 = vector.load %arg2[%get3A_26, %get3A_27] : memref<256x1024xf32, #tpu.memory_space<vmem>>, vector<256x1024xf32>
    %get3A_29 = arith.constant 0 : index
    %get3A_30 = arith.constant 0 : index
    %get3A_31 = arith.constant 0 : index
    %get3A_32 = vector.load %arg3[%get3A_29, %get3A_30, %get3A_31] : memref<1x1x256xf32, #tpu.memory_space<vmem>>, vector<1x1x256xf32>
    %get3A_33 = vector.shape_cast %get3A_32 : vector<1x1x256xf32> to vector<256xf32>
    %broadcast_in_dim3A = vector.shape_cast %get3A_33 : vector<256xf32> to vector<256x1xf32>
    %mul3A_34 = vector.broadcast %broadcast_in_dim3A : vector<256x1xf32> to vector<256x1024xf32>
    %mul3A_35 = arith.mulf %get3A_28, %mul3A_34 : vector<256x1024xf32>
    %add3A = arith.addf %mul3A_35, %dot_general3A_25 : vector<256x1024xf32>
    %swap3A = arith.constant 0 : index
    %swap3A_36 = arith.constant 0 : index
    %swap3A_37 = vector.load %arg7[%swap3A, %swap3A_36] : memref<256x1024xf32, #tpu.memory_space<vmem>>, vector<256x1024xf32>
    tpu.vector_store %arg7[%swap3A, %swap3A_36], %add3A {strides = array<i32>} : memref<256x1024xf32, #tpu.memory_space<vmem>>, vector<256x1024xf32>,
    return
  }
  func.func @transform_0(%arg0: i32) -> (i32, i32) {
    %c0_i32 = arith.constant 0 : i32
    %c0_i32_0 = arith.constant 0 : i32
    return %arg0, %c0_i32 : i32, i32
  }
  func.func @transform_1(%arg0: i32) -> (i32, i32) {
    %c0_i32 = arith.constant 0 : i32
    %c0_i32_0 = arith.constant 0 : i32
    return %arg0, %c0_i32 : i32, i32
  }
  func.func @transform_2(%arg0: i32) -> (i32, i32, i32) {
    %c0_i32 = arith.constant 0 : i32
    %c0_i32_0 = arith.constant 0 : i32
    %c0_i32_1 = arith.constant 0 : i32
    return %arg0, %c0_i32, %c0_i32_0 : i32, i32, i32
  }
  func.func @transform_3(%arg0: i32) -> (i32, i32) {
    %c0_i32 = arith.constant 0 : i32
    %c0_i32_0 = arith.constant 0 : i32
    %c0_i32_1 = arith.constant 0 : i32
    return %c0_i32, %c0_i32_0 : i32, i32
  }
  func.func @transform_4(%arg0: i32) -> (i32, i32) {
    %c0_i32 = arith.constant 0 : i32
    %c0_i32_0 = arith.constant 0 : i32
    %c0_i32_1 = arith.constant 0 : i32
    return %c0_i32, %c0_i32_0 : i32, i32
  }
  func.func @transform_5(%arg0: i32) -> (i32, i32) {
    %c0_i32 = arith.constant 0 : i32
    %c0_i32_0 = arith.constant 0 : i32
    %c0_i32_1 = arith.constant 0 : i32
    return %c0_i32, %c0_i32_0 : i32, i32
  }
  func.func @transform_6(%arg0: i32) -> (i32, i32) {
    %c0_i32 = arith.constant 0 : i32
    %c0_i32_0 = arith.constant 0 : i32
    return %arg0, %c0_i32 : i32, i32
  }
}

module attributes {stable_mosaic.version = 14 : i64} {
  func.func @_router_body(%arg0: memref<2048x1024xf32, #tpu.memory_space<vmem>>, %arg1: memref<64x1024xf32, #tpu.memory_space<vmem>>, %arg2: memref<2048xi32, #tpu.memory_space<vmem>>, %arg3: memref<2048xf32, #tpu.memory_space<vmem>>, %arg4: memref<106xi32, #tpu.memory_space<vmem>>, %arg5: memref<106xi32, #tpu.memory_space<vmem>>) attributes {dimension_semantics = [], scalar_prefetch = 0 : i64, scratch_operands = 0 : i64, tpu.core_type = #tpu.core_type<tc>} {
    %get3A = arith.constant 0 : index
    %get3A_0 = arith.constant 0 : index
    %get3A_1 = vector.load %arg0[%get3A, %get3A_0] : memref<2048x1024xf32, #tpu.memory_space<vmem>>, vector<2048x1024xf32>
    %get3A_2 = arith.constant 0 : index
    %get3A_3 = arith.constant 0 : index
    %get3A_4 = vector.load %arg1[%get3A_2, %get3A_3] : memref<64x1024xf32, #tpu.memory_space<vmem>>, vector<64x1024xf32>
    %dot_general3A = arith.constant dense<0.000000e+00> : vector<2048x64xf32>
    %dot_general3A_5 = tpu.matmul %get3A_1, %get3A_4, %dot_general3A {dimension_numbers = #tpu.dot_dimension_numbers<[1], [1], [0], [0], [0, 0, 1, 0], [], []>, transpose_lhs_hint = false} : vector<2048x1024xf32>, vector<64x1024xf32>, vector<2048x64xf32> -> vector<2048x64xf32>
    %reduce_max3A = arith.constant dense<0xFF800000> : vector<2048xf32>
    %reduce_max3A_6 = vector.multi_reduction <maximumf>, %dot_general3A_5, %reduce_max3A [1] : vector<2048x64xf32> to vector<2048xf32>
    %broadcast_in_dim3A = vector.shape_cast %reduce_max3A_6 : vector<2048xf32> to vector<2048x1xf32>
    %sub3A = vector.broadcast %broadcast_in_dim3A : vector<2048x1xf32> to vector<2048x64xf32>
    %sub3A_7 = arith.subf %dot_general3A_5, %sub3A : vector<2048x64xf32>
    %exp3A = math.exp %sub3A_7 : vector<2048x64xf32>
    %reduce_sum3A = arith.constant dense<0.000000e+00> : vector<2048xf32>
    %reduce_sum3A_8 = vector.multi_reduction <add>, %exp3A, %reduce_sum3A [1] : vector<2048x64xf32> to vector<2048xf32>
    %div3A = arith.constant 1.000000e+00 : f32
    %div3A_9 = vector.broadcast %div3A : f32 to vector<2048xf32>
    %div3A_10 = arith.divf %div3A_9, %reduce_sum3A_8 : vector<2048xf32>
    %add3A = arith.constant 9.99999993E-9 : f32
    %add3A_11 = vector.broadcast %add3A : f32 to vector<2048xf32>
    %add3A_12 = arith.addf %div3A_10, %add3A_11 : vector<2048xf32>
    %div3A_13 = arith.divf %div3A_10, %add3A_12 : vector<2048xf32>
    %swap3A = arith.constant 0 : index
    %swap3A_14 = vector.load %arg3[%swap3A] : memref<2048xf32, #tpu.memory_space<vmem>>, vector<2048xf32>
    tpu.vector_store %arg3[%swap3A], %div3A_13 {strides = array<i32>} : memref<2048xf32, #tpu.memory_space<vmem>>, vector<2048xf32>,
    %iota3A = tpu.iota {dimensions = array<i32: 1>} : vector<2048x64xi32>
    %ge3A = vector.broadcast %broadcast_in_dim3A : vector<2048x1xf32> to vector<2048x64xf32>
    %ge3A_15 = arith.cmpf oge, %dot_general3A_5, %ge3A : vector<2048x64xf32>
    %jit3A = arith.constant 64 : i32
    %broadcast_in_dim3A_16 = vector.broadcast %jit3A : i32 to vector<2048x64xi32>
    %select_n3A = arith.select %ge3A_15, %iota3A, %broadcast_in_dim3A_16 : vector<2048x64xi1>, vector<2048x64xi32>
    %reduce_min3A = arith.constant dense<2147483647> : vector<2048xi32>
    %reduce_min3A_17 = vector.multi_reduction <minsi>, %select_n3A, %reduce_min3A [1] : vector<2048x64xi32> to vector<2048xi32>
    %broadcast_in_dim3A_18 = vector.shape_cast %reduce_min3A_17 : vector<2048xi32> to vector<2048x1xi32>
    %eq3A = vector.broadcast %broadcast_in_dim3A_18 : vector<2048x1xi32> to vector<2048x64xi32>
    %eq3A_19 = arith.cmpi eq, %iota3A, %eq3A : vector<2048x64xi32>
    %convert_element_type3A = arith.extui %eq3A_19 : vector<2048x64xi1> to vector<2048x64xi32>
    %convert_element_type3A_20 = arith.sitofp %convert_element_type3A : vector<2048x64xi32> to vector<2048x64xf32>
    %iota3A_21 = tpu.iota {dimensions = array<i32: 0>} : vector<256x256xi32>
    %iota3A_22 = tpu.iota {dimensions = array<i32: 1>} : vector<256x256xi32>
    %lt3A = arith.cmpi slt, %iota3A_22, %iota3A_21 : vector<256x256xi32>
    %convert_element_type3A_23 = arith.extui %lt3A : vector<256x256xi1> to vector<256x256xi32>
    %convert_element_type3A_24 = arith.sitofp %convert_element_type3A_23 : vector<256x256xi32> to vector<256x256xf32>
    %broadcast_in_dim3A_25 = arith.constant 0.000000e+00 : f32
    %broadcast_in_dim3A_26 = vector.broadcast %broadcast_in_dim3A_25 : f32 to vector<1x64xf32>
    %slice3A = vector.extract_strided_slice %convert_element_type3A_20 {offsets = [0, 0], sizes = [256, 64], strides = [1, 1]} : vector<2048x64xf32> to vector<256x64xf32>
    %dot_general3A_27 = arith.constant dense<0.000000e+00> : vector<256x64xf32>
    %dot_general3A_28 = tpu.matmul %convert_element_type3A_24, %slice3A, %dot_general3A_27 {dimension_numbers = #tpu.dot_dimension_numbers<[1], [0], [0], [1], [0, 0, 1, 1], [], []>, transpose_lhs_hint = false} : vector<256x256xf32>, vector<256x64xf32>, vector<256x64xf32> -> vector<256x64xf32>
    %add3A_29 = vector.broadcast %broadcast_in_dim3A_26 : vector<1x64xf32> to vector<256x64xf32>
    %add3A_30 = arith.addf %dot_general3A_28, %add3A_29 : vector<256x64xf32>
    %reduce_sum3A_31 = arith.constant dense<0.000000e+00> : vector<64xf32>
    %reduce_sum3A_32 = vector.multi_reduction <add>, %slice3A, %reduce_sum3A_31 [0] : vector<256x64xf32> to vector<64xf32>
    %broadcast_in_dim3A_33 = vector.shape_cast %reduce_sum3A_32 : vector<64xf32> to vector<1x64xf32>
    %add3A_34 = arith.addf %broadcast_in_dim3A_26, %broadcast_in_dim3A_33 : vector<1x64xf32>
    %slice3A_35 = vector.extract_strided_slice %convert_element_type3A_20 {offsets = [256, 0], sizes = [256, 64], strides = [1, 1]} : vector<2048x64xf32> to vector<256x64xf32>
    %dot_general3A_36 = arith.constant dense<0.000000e+00> : vector<256x64xf32>
    %dot_general3A_37 = tpu.matmul %convert_element_type3A_24, %slice3A_35, %dot_general3A_36 {dimension_numbers = #tpu.dot_dimension_numbers<[1], [0], [0], [1], [0, 0, 1, 1], [], []>, transpose_lhs_hint = false} : vector<256x256xf32>, vector<256x64xf32>, vector<256x64xf32> -> vector<256x64xf32>
    %add3A_38 = vector.broadcast %add3A_34 : vector<1x64xf32> to vector<256x64xf32>
    %add3A_39 = arith.addf %dot_general3A_37, %add3A_38 : vector<256x64xf32>
    %reduce_sum3A_40 = arith.constant dense<0.000000e+00> : vector<64xf32>
    %reduce_sum3A_41 = vector.multi_reduction <add>, %slice3A_35, %reduce_sum3A_40 [0] : vector<256x64xf32> to vector<64xf32>
    %broadcast_in_dim3A_42 = vector.shape_cast %reduce_sum3A_41 : vector<64xf32> to vector<1x64xf32>
    %add3A_43 = arith.addf %add3A_34, %broadcast_in_dim3A_42 : vector<1x64xf32>
    %slice3A_44 = vector.extract_strided_slice %convert_element_type3A_20 {offsets = [512, 0], sizes = [256, 64], strides = [1, 1]} : vector<2048x64xf32> to vector<256x64xf32>
    %dot_general3A_45 = arith.constant dense<0.000000e+00> : vector<256x64xf32>
    %dot_general3A_46 = tpu.matmul %convert_element_type3A_24, %slice3A_44, %dot_general3A_45 {dimension_numbers = #tpu.dot_dimension_numbers<[1], [0], [0], [1], [0, 0, 1, 1], [], []>, transpose_lhs_hint = false} : vector<256x256xf32>, vector<256x64xf32>, vector<256x64xf32> -> vector<256x64xf32>
    %add3A_47 = vector.broadcast %add3A_43 : vector<1x64xf32> to vector<256x64xf32>
    %add3A_48 = arith.addf %dot_general3A_46, %add3A_47 : vector<256x64xf32>
    %reduce_sum3A_49 = arith.constant dense<0.000000e+00> : vector<64xf32>
    %reduce_sum3A_50 = vector.multi_reduction <add>, %slice3A_44, %reduce_sum3A_49 [0] : vector<256x64xf32> to vector<64xf32>
    %broadcast_in_dim3A_51 = vector.shape_cast %reduce_sum3A_50 : vector<64xf32> to vector<1x64xf32>
    %add3A_52 = arith.addf %add3A_43, %broadcast_in_dim3A_51 : vector<1x64xf32>
    %slice3A_53 = vector.extract_strided_slice %convert_element_type3A_20 {offsets = [768, 0], sizes = [256, 64], strides = [1, 1]} : vector<2048x64xf32> to vector<256x64xf32>
    %dot_general3A_54 = arith.constant dense<0.000000e+00> : vector<256x64xf32>
    %dot_general3A_55 = tpu.matmul %convert_element_type3A_24, %slice3A_53, %dot_general3A_54 {dimension_numbers = #tpu.dot_dimension_numbers<[1], [0], [0], [1], [0, 0, 1, 1], [], []>, transpose_lhs_hint = false} : vector<256x256xf32>, vector<256x64xf32>, vector<256x64xf32> -> vector<256x64xf32>
    %add3A_56 = vector.broadcast %add3A_52 : vector<1x64xf32> to vector<256x64xf32>
    %add3A_57 = arith.addf %dot_general3A_55, %add3A_56 : vector<256x64xf32>
    %reduce_sum3A_58 = arith.constant dense<0.000000e+00> : vector<64xf32>
    %reduce_sum3A_59 = vector.multi_reduction <add>, %slice3A_53, %reduce_sum3A_58 [0] : vector<256x64xf32> to vector<64xf32>
    %broadcast_in_dim3A_60 = vector.shape_cast %reduce_sum3A_59 : vector<64xf32> to vector<1x64xf32>
    %add3A_61 = arith.addf %add3A_52, %broadcast_in_dim3A_60 : vector<1x64xf32>
    %slice3A_62 = vector.extract_strided_slice %convert_element_type3A_20 {offsets = [1024, 0], sizes = [256, 64], strides = [1, 1]} : vector<2048x64xf32> to vector<256x64xf32>
    %dot_general3A_63 = arith.constant dense<0.000000e+00> : vector<256x64xf32>
    %dot_general3A_64 = tpu.matmul %convert_element_type3A_24, %slice3A_62, %dot_general3A_63 {dimension_numbers = #tpu.dot_dimension_numbers<[1], [0], [0], [1], [0, 0, 1, 1], [], []>, transpose_lhs_hint = false} : vector<256x256xf32>, vector<256x64xf32>, vector<256x64xf32> -> vector<256x64xf32>
    %add3A_65 = vector.broadcast %add3A_61 : vector<1x64xf32> to vector<256x64xf32>
    %add3A_66 = arith.addf %dot_general3A_64, %add3A_65 : vector<256x64xf32>
    %reduce_sum3A_67 = arith.constant dense<0.000000e+00> : vector<64xf32>
    %reduce_sum3A_68 = vector.multi_reduction <add>, %slice3A_62, %reduce_sum3A_67 [0] : vector<256x64xf32> to vector<64xf32>
    %broadcast_in_dim3A_69 = vector.shape_cast %reduce_sum3A_68 : vector<64xf32> to vector<1x64xf32>
    %add3A_70 = arith.addf %add3A_61, %broadcast_in_dim3A_69 : vector<1x64xf32>
    %slice3A_71 = vector.extract_strided_slice %convert_element_type3A_20 {offsets = [1280, 0], sizes = [256, 64], strides = [1, 1]} : vector<2048x64xf32> to vector<256x64xf32>
    %dot_general3A_72 = arith.constant dense<0.000000e+00> : vector<256x64xf32>
    %dot_general3A_73 = tpu.matmul %convert_element_type3A_24, %slice3A_71, %dot_general3A_72 {dimension_numbers = #tpu.dot_dimension_numbers<[1], [0], [0], [1], [0, 0, 1, 1], [], []>, transpose_lhs_hint = false} : vector<256x256xf32>, vector<256x64xf32>, vector<256x64xf32> -> vector<256x64xf32>
    %add3A_74 = vector.broadcast %add3A_70 : vector<1x64xf32> to vector<256x64xf32>
    %add3A_75 = arith.addf %dot_general3A_73, %add3A_74 : vector<256x64xf32>
    %reduce_sum3A_76 = arith.constant dense<0.000000e+00> : vector<64xf32>
    %reduce_sum3A_77 = vector.multi_reduction <add>, %slice3A_71, %reduce_sum3A_76 [0] : vector<256x64xf32> to vector<64xf32>
    %broadcast_in_dim3A_78 = vector.shape_cast %reduce_sum3A_77 : vector<64xf32> to vector<1x64xf32>
    %add3A_79 = arith.addf %add3A_70, %broadcast_in_dim3A_78 : vector<1x64xf32>
    %slice3A_80 = vector.extract_strided_slice %convert_element_type3A_20 {offsets = [1536, 0], sizes = [256, 64], strides = [1, 1]} : vector<2048x64xf32> to vector<256x64xf32>
    %dot_general3A_81 = arith.constant dense<0.000000e+00> : vector<256x64xf32>
    %dot_general3A_82 = tpu.matmul %convert_element_type3A_24, %slice3A_80, %dot_general3A_81 {dimension_numbers = #tpu.dot_dimension_numbers<[1], [0], [0], [1], [0, 0, 1, 1], [], []>, transpose_lhs_hint = false} : vector<256x256xf32>, vector<256x64xf32>, vector<256x64xf32> -> vector<256x64xf32>
    %add3A_83 = vector.broadcast %add3A_79 : vector<1x64xf32> to vector<256x64xf32>
    %add3A_84 = arith.addf %dot_general3A_82, %add3A_83 : vector<256x64xf32>
    %reduce_sum3A_85 = arith.constant dense<0.000000e+00> : vector<64xf32>
    %reduce_sum3A_86 = vector.multi_reduction <add>, %slice3A_80, %reduce_sum3A_85 [0] : vector<256x64xf32> to vector<64xf32>
    %broadcast_in_dim3A_87 = vector.shape_cast %reduce_sum3A_86 : vector<64xf32> to vector<1x64xf32>
    %add3A_88 = arith.addf %add3A_79, %broadcast_in_dim3A_87 : vector<1x64xf32>
    %slice3A_89 = vector.extract_strided_slice %convert_element_type3A_20 {offsets = [1792, 0], sizes = [256, 64], strides = [1, 1]} : vector<2048x64xf32> to vector<256x64xf32>
    %dot_general3A_90 = arith.constant dense<0.000000e+00> : vector<256x64xf32>
    %dot_general3A_91 = tpu.matmul %convert_element_type3A_24, %slice3A_89, %dot_general3A_90 {dimension_numbers = #tpu.dot_dimension_numbers<[1], [0], [0], [1], [0, 0, 1, 1], [], []>, transpose_lhs_hint = false} : vector<256x256xf32>, vector<256x64xf32>, vector<256x64xf32> -> vector<256x64xf32>
    %add3A_92 = vector.broadcast %add3A_88 : vector<1x64xf32> to vector<256x64xf32>
    %add3A_93 = arith.addf %dot_general3A_91, %add3A_92 : vector<256x64xf32>
    %reduce_sum3A_94 = arith.constant dense<0.000000e+00> : vector<64xf32>
    %reduce_sum3A_95 = vector.multi_reduction <add>, %slice3A_89, %reduce_sum3A_94 [0] : vector<256x64xf32> to vector<64xf32>
    %broadcast_in_dim3A_96 = vector.shape_cast %reduce_sum3A_95 : vector<64xf32> to vector<1x64xf32>
    %add3A_97 = arith.addf %add3A_88, %broadcast_in_dim3A_96 : vector<1x64xf32>
    %concatenate3A = tpu.concatenate %add3A_30, %add3A_39, %add3A_48, %add3A_57, %add3A_66, %add3A_75, %add3A_84, %add3A_93 in 0 : vector<256x64xf32>, vector<256x64xf32>, vector<256x64xf32>, vector<256x64xf32>, vector<256x64xf32>, vector<256x64xf32>, vector<256x64xf32>, vector<256x64xf32> -> vector<2048x64xf32>
    %add3A_98 = arith.constant 4.700000e+01 : f32
    %add3A_99 = vector.broadcast %add3A_98 : f32 to vector<1x64xf32>
    %add3A_100 = arith.addf %add3A_97, %add3A_99 : vector<1x64xf32>
    %div3A_101 = arith.constant 4.800000e+01 : f32
    %div3A_102 = vector.broadcast %div3A_101 : f32 to vector<1x64xf32>
    %div3A_103 = arith.divf %add3A_100, %div3A_102 : vector<1x64xf32>
    %floor3A = math.floor %div3A_103 : vector<1x64xf32>
    %iota3A_104 = tpu.iota {dimensions = array<i32: 0>} : vector<64x64xi32>
    %iota3A_105 = tpu.iota {dimensions = array<i32: 1>} : vector<64x64xi32>
    %le3A = arith.cmpi sle, %iota3A_104, %iota3A_105 : vector<64x64xi32>
    %convert_element_type3A_106 = arith.extui %le3A : vector<64x64xi1> to vector<64x64xi32>
    %convert_element_type3A_107 = arith.sitofp %convert_element_type3A_106 : vector<64x64xi32> to vector<64x64xf32>
    %dot_general3A_108 = arith.constant dense<0.000000e+00> : vector<1x64xf32>
    %dot_general3A_109 = tpu.matmul %floor3A, %convert_element_type3A_107, %dot_general3A_108 {dimension_numbers = #tpu.dot_dimension_numbers<[1], [0], [0], [1], [0, 0, 1, 1], [], []>, transpose_lhs_hint = false} : vector<1x64xf32>, vector<64x64xf32>, vector<1x64xf32> -> vector<1x64xf32>
    %sub3A_110 = arith.subf %dot_general3A_109, %floor3A : vector<1x64xf32>
    %mul3A = arith.constant 4.800000e+01 : f32
    %mul3A_111 = vector.broadcast %mul3A : f32 to vector<1x64xf32>
    %mul3A_112 = arith.mulf %sub3A_110, %mul3A_111 : vector<1x64xf32>
    %add3A_113 = vector.broadcast %mul3A_112 : vector<1x64xf32> to vector<2048x64xf32>
    %add3A_114 = arith.addf %concatenate3A, %add3A_113 : vector<2048x64xf32>
    %mul3A_115 = arith.mulf %convert_element_type3A_20, %add3A_114 : vector<2048x64xf32>
    %reduce_sum3A_116 = arith.constant dense<0.000000e+00> : vector<2048xf32>
    %reduce_sum3A_117 = vector.multi_reduction <add>, %mul3A_115, %reduce_sum3A_116 [1] : vector<2048x64xf32> to vector<2048xf32>
    %convert_element_type3A_118 = arith.fptosi %reduce_sum3A_117 : vector<2048xf32> to vector<2048xi32>
    %swap3A_119 = arith.constant 0 : index
    %swap3A_120 = vector.load %arg2[%swap3A_119] : memref<2048xi32, #tpu.memory_space<vmem>>, vector<2048xi32>
    tpu.vector_store %arg2[%swap3A_119], %convert_element_type3A_118 {strides = array<i32>} : memref<2048xi32, #tpu.memory_space<vmem>>, vector<2048xi32>,
    %slice3A_121 = vector.extract_strided_slice %dot_general3A_109 {offsets = [0, 63], sizes = [1, 1], strides = [1, 1]} : vector<1x64xf32> to vector<1x1xf32>
    %iota3A_122 = tpu.iota {dimensions = array<i32: 0>} : vector<106x64xi32>
    %convert_element_type3A_123 = arith.sitofp %iota3A_122 : vector<106x64xi32> to vector<106x64xf32>
    %sub3A_124 = arith.constant 1.000000e+00 : f32
    %sub3A_125 = vector.broadcast %sub3A_124 : f32 to vector<1x1xf32>
    %sub3A_126 = arith.subf %slice3A_121, %sub3A_125 : vector<1x1xf32>
    %min3A = vector.broadcast %sub3A_126 : vector<1x1xf32> to vector<106x64xf32>
    %min3A_127 = arith.minimumf %convert_element_type3A_123, %min3A : vector<106x64xf32>
    %le3A_128 = vector.broadcast %dot_general3A_109 : vector<1x64xf32> to vector<106x64xf32>
    %le3A_129 = arith.cmpf ole, %le3A_128, %min3A_127 : vector<106x64xf32>
    %convert_element_type3A_130 = arith.extui %le3A_129 : vector<106x64xi1> to vector<106x64xi32>
    %reduce_sum3A_131 = arith.constant dense<0> : vector<106xi32>
    %reduce_sum3A_132 = vector.multi_reduction <add>, %convert_element_type3A_130, %reduce_sum3A_131 [1] : vector<106x64xi32> to vector<106xi32>
    %min3A_133 = arith.constant 63 : i32
    %min3A_134 = vector.broadcast %min3A_133 : i32 to vector<106xi32>
    %min3A_135 = arith.minsi %reduce_sum3A_132, %min3A_134 : vector<106xi32>
    %swap3A_136 = arith.constant 0 : index
    %swap3A_137 = vector.load %arg4[%swap3A_136] : memref<106xi32, #tpu.memory_space<vmem>>, vector<106xi32>
    tpu.vector_store %arg4[%swap3A_136], %min3A_135 {strides = array<i32>} : memref<106xi32, #tpu.memory_space<vmem>>, vector<106xi32>,
    %slice3A_138 = vector.extract_strided_slice %min3A_127 {offsets = [0, 0], sizes = [106, 1], strides = [1, 1]} : vector<106x64xf32> to vector<106x1xf32>
    %squeeze3A = vector.shape_cast %slice3A_138 : vector<106x1xf32> to vector<106xf32>
    %convert_element_type3A_139 = arith.fptosi %squeeze3A : vector<106xf32> to vector<106xi32>
    %swap3A_140 = arith.constant 0 : index
    %swap3A_141 = vector.load %arg5[%swap3A_140] : memref<106xi32, #tpu.memory_space<vmem>>, vector<106xi32>
    tpu.vector_store %arg5[%swap3A_140], %convert_element_type3A_139 {strides = array<i32>} : memref<106xi32, #tpu.memory_space<vmem>>, vector<106xi32>,
    return
  }
}

</mosaic_0001>

<sc_bundles>
// kernel: kernel.10.cloned.1.call-start
scs
__scs_entry_jumppad:
0x0: {  	(pc) =	sbr.rel $0x88, $3  }
0x1: {  	(tag) =	ssettag $0x0;
	lr =	simm.s32 $0x1  }
0x2: {  	[smem:$0x3F99] =	sst lr;
	_ =	strace $0xD0000000  }
0x3: {  	_ = 	snop  }
0x4: {  	_ = 	snop  }
0x5: {  	_ = 	snop  }
0x6: {  	_ = 	snop  }
0x7: {  	_ = 	snop  }
__scs_overlays_trampoline_lowered:
0x8: {  	[smem:$0x3FA8] =	sst s0  }
0x9: {  	[smem:$0x3FA9] =	sst s1  }
0xa: {  	[smem:$0x3FAA] =	sst s2  }
0xb: {  	[smem:$0x3FAB] =	sst s3  }
0xc: {  	[smem:$0x3FAC] =	sst s4  }
0xd: {  	[smem:$0x3FAD] =	sst s5  }
0xe: {  	[smem:$0x3FAE] =	sst s6  }
0xf: {  	[smem:$0x3FAF] =	sst s7  }
0x10: {  	[smem:$0x3FB0] =	sst s8  }
0x11: {  	[smem:$0x3FB1] =	sst s9;
	s0 =	simm.s32 @!p0 $0x0  }
0x12: {  	s1 =	sld [smem:$0x3F97];
	s0 =	simm.s32 @p0 $0x1  }
0x13: {  	[smem:$0x3FB2] =	sst s0;
	s0 =	simm.s32 @!p1 $0x0  }
0x14: {  	s2 =	sld [smem:$0x3F96];
	s0 =	simm.s32 @p1 $0x1  }
0x15: {  	[smem:$0x3FB3] =	sst s0;
	s0 =	simm.s32 @!p2 $0x0  }
0x16: {  	s3 =	sld [smem:$0x3FDB];
	s0 =	simm.s32 @p2 $0x1  }
0x17: {  	s4 =	simm.s32 $0x1BF5;
	[smem:$0x3FB5] =	sst s0  }
0x18: {  	s0 =	sld [smem:$0x3F98];
	_ =	swait.ge [sflag:s4], $0x0  }
0x19: {  	s7 =	sld [smem:$0x3F99]  }
0x1a: {  	s8 =	sadd.s32 $0xFFFFE003, lr  }
0x1b: {  	s9 =	sadd.s32 $0xFFFFFEF7, lr;
	s5 =	simm.s32 $0xFFFFFFFF;
	p2 =	slt.u32 s8, $0xFFFFF086  }
0x1c: {  	p1 =	slt.u32 s9, $0xF7A;
	s5 =	simm.s32 @!p2 $0x0  }
0x1d: {  	s5 =	simm.s32 @p1 $0x1;
	p0 =	seq.s32 s7, s2  }
0x1e: {  	s7 =	smul.u32 @!p0 $0xF7A, s2;
	p2 =	seq.s32 @!p0 s5, $0x0  }
0x1f: {  	s9 =	smul.u32 $0xF7A, s1;
	s8 =	simm.s32 @!p0 $0x1BF5;
	p2 =	por !p2, p0  }
0x20: {  	[sflag:s8] =	ssyncset.s32 @!p0 $0xFFFFF086;
	s6 =	sadd.s32 @!p0 s3, s7;
	s7 =	simm.s32 @!p0 $0x108  }
0x21: {  	s3 =	sadd.s32 s3, s9;
	s6 =	sadd.s32 @!p0 $0x88, s6;
	s7 =	simm.s32 @p2 $0x1082  }
0x22: {  	[simem:s7], [sflag:s8] =	dma.local @!p0 [hbm:s6], $0xF7A  }
0x23: {  	s9 =	sor.u32 $0xD0000000, s2;
	s6 =	simm.s32 $0x108;
	_ =	swait.ge @!p0 [sflag:s8], $0x0  }
0x24: {  	s3 =	sadd.s32 $0x88, s3;
	s6 =	simm.s32 @!p1 $0x1082;
	[sflag:s4] =	ssyncset.s32 $0xFFFFF086  }
0x25: {  	[simem:s6], [sflag:s4] =	dma.local [hbm:s3], $0xF7A  }
0x26: {  	[smem:$0x3F99] =	sst s1;
	(tag) =	ssettag s2;
	_ =	strace s9  }
0x27: {  	s1 =	sld [smem:$0x3FA9]  }
0x28: {  	s2 =	sld [smem:$0x3FAA]  }
0x29: {  	s4 =	sld [smem:$0x3FAC]  }
0x2a: {  	p0 =	seq.s32 s5, $0x0;
	s5 =	sld [smem:$0x3FAD]  }
0x2b: {  	s6 =	sld [smem:$0x3FAE]  }
0x2c: {  	s7 =	sld [smem:$0x3FAF]  }
0x2d: {  	s3 =	simm.s32 $0x108;
	s8 =	sld [smem:$0x3FB0]  }
0x2e: {  	s3 =	simm.s32 @!p0 $0x1082;
	s9 =	sld [smem:$0x3FB1]  }
0x2f: {  	lr =	sadd.s32 s0, s3;
	s0 =	sld [smem:$0x3FA8]  }
0x30: {  	s3 =	sld [smem:$0x3FAB]  }
0x31: {  	[smem:$0x3FB4] =	sst s10  }
0x32: {  	s10 =	sld [smem:$0x3FB2];
	_ =	sdelay $0x3  }
0x33: {  	p0 =	seq.s32 s10, $0x1;
	s10 =	sld [smem:$0x3FB4];
	_ =	sdelay $0x3  }
0x34: {  	[smem:$0x3FB4] =	sst s10  }
0x35: {  	s10 =	sld [smem:$0x3FB3];
	_ =	sdelay $0x3  }
0x36: {  	p1 =	seq.s32 s10, $0x1;
	s10 =	sld [smem:$0x3FB4];
	_ =	sdelay $0x3  }
0x37: {  	[smem:$0x3FB4] =	sst s10  }
0x38: {  	s10 =	sld [smem:$0x3FB5]  }
0x39: {  	_ = 	snop;
	(pc) =	sbr.ind lr, $3  }
0x3a: {  	_ = 	snop  }
0x3b: {  	_ = 	snop  }
0x3c: {  	p2 =	seq.s32 s10, $0x1;
	s10 =	sld [smem:$0x3FB4]  }
0x3d: {  	_ =	shalt  }
0x3e: {  	_ =	shalt  }
0x3f: {  	_ =	shalt  }
0x40: {  	_ =	shalt  }
0x41: {  	_ =	shalt  }
0x42: {  	_ =	shalt  }
0x43: {  	_ =	shalt  }
0x44: {  	_ =	shalt  }
0x45: {  	_ =	shalt  }
0x46: {  	_ =	shalt  }
0x47: {  	_ =	shalt  }
0x48: {  	_ =	shalt  }
0x49: {  	_ =	shalt  }
0x4a: {  	_ =	shalt  }
0x4b: {  	_ =	shalt  }
0x4c: {  	_ =	shalt  }
0x4d: {  	_ =	shalt  }
0x4e: {  	_ =	shalt  }
0x4f: {  	_ =	shalt  }
0x50: {  	_ =	shalt  }
0x51: {  	_ =	shalt  }
0x52: {  	_ =	shalt  }
0x53: {  	_ =	shalt  }
0x54: {  	_ =	shalt  }
0x55: {  	_ =	shalt  }
0x56: {  	_ =	shalt  }
0x57: {  	_ =	shalt  }
0x58: {  	_ =	shalt  }
0x59: {  	_ =	shalt  }
0x5a: {  	_ =	shalt  }
0x5b: {  	_ =	shalt  }
0x5c: {  	_ =	shalt  }
0x5d: {  	_ =	shalt  }
0x5e: {  	_ =	shalt  }
0x5f: {  	_ =	shalt  }
0x60: {  	_ =	shalt  }
0x61: {  	_ =	shalt  }
0x62: {  	_ =	shalt  }
0x63: {  	_ =	shalt  }
0x64: {  	_ =	shalt  }
0x65: {  	_ =	shalt  }
0x66: {  	_ =	shalt  }
0x67: {  	_ =	shalt  }
0x68: {  	_ =	shalt  }
0x69: {  	_ =	shalt  }
0x6a: {  	_ =	shalt  }
0x6b: {  	_ =	shalt  }
0x6c: {  	_ =	shalt  }
0x6d: {  	_ =	shalt  }
0x6e: {  	_ =	shalt  }
0x6f: {  	_ =	shalt  }
0x70: {  	_ =	shalt  }
0x71: {  	_ =	shalt  }
0x72: {  	_ =	shalt  }
0x73: {  	_ =	shalt  }
0x74: {  	_ =	shalt  }
0x75: {  	_ =	shalt  }
0x76: {  	_ =	shalt  }
0x77: {  	_ =	shalt  }
0x78: {  	_ =	shalt  }
0x79: {  	_ =	shalt  }
0x7a: {  	_ =	shalt  }
0x7b: {  	_ =	shalt  }
0x7c: {  	_ =	shalt  }
0x7d: {  	_ =	shalt  }
0x7e: {  	_ =	shalt  }
0x7f: {  	_ =	shalt  }
0x80: {  	_ =	shalt  }
0x81: {  	_ =	shalt  }
0x82: {  	_ =	shalt  }
0x83: {  	_ =	shalt  }
0x84: {  	_ =	shalt  }
0x85: {  	_ =	shalt  }
0x86: {  	_ =	shalt  }
0x87: {  	_ =	shalt  }
.Lfunc_end0:
.L_simem_size_0:
called_computation.1_lowered:
.L_overlay_start_0:
0x88: {  	s2 =	sld [smem:$0x3FD9]  }
0x89: {  	s3 =	sld [smem:$0x3FFE];
	_ =	sdelay $0x1  }
0x8a: {  	s1 =	srdreg.scid  }
0x8b: {  	s0 =	sand.u32 $0x1, s1  }
0x8c: {  	s17 =	sshll.u32 s0, $0xA;
	s2 =	sadd.s32 s3, s2  }
0x8d: {  	s2 =	sadd.s32 s2, s17  }
0x8e: {  	[smem:$0x3FC0] =	sst s2  }
0x8f: {  	_ = 	snop  }
0x90: {  	s2 =	sld [smem:$0x3FD0];
	(tm) =	ssettm $0x1  }
0x91: {  	s18 =	sld [smem:$0x3FFB];
	_ =	sdelay $0x3  }
0x92: {  	_ =	strace s18  }
0x93: {  	s3 =	sld [smem:$0x3FFC];
	_ =	sdelay $0x3  }
0x94: {  	_ =	strace s3  }
0x95: {  	s3 =	sld [smem:$0x3FFD];
	_ =	sdelay $0x3  }
0x96: {  	_ =	strace s3  }
0x97: {  	_ =	strace $0x8FFFFFFF  }
0x98: {  	s19 =	sld [smem:$0x3FDB];
	_ =	sdelay $0x1  }
0x99: {  	s4 =	simm.s32 $_scs_section_size  }
0x9a: {  	s5 =	simm.s32 $_size__tile_overlayer_lowered;
	s6 =	simm.s32 $_tile_overlayer_lowered  }
0x9b: {  	s22 =	simm.s32 $0x1BFF;
	s21 =	sshll.u32 s6, $0x1;
	s3 =	sadd.s32 s4, s19  }
0x9c: {  	s7 =	simm.s32 $0x0;
	s20 =	sshll.u32 s5, $0x1;
	s5 =	sadd.s32 s21, s3  }
0x9d: {  	[timem:s7], [sflag:s22] =	dma.local [hbm:s5], s20  }
0x9e: {  	_ =	swait.ge [sflag:s22], s20  }
0x9f: {  	s4 =	ssub.s32 $0x0, s20;
	[sflag:s22] =	ssyncset.done $0x0  }
0xa0: {  	[sflag:s22] =	ssyncadd.s32 s4;
	_ =	sdelay $0x1  }
0xa1: {  	s23 =	simm.s32 $0x1B8B  }
0xa2: {  	_ =	swait.ge [sflag:s23], $0x1  }
0xa3: {  	[sflag:s23] =	ssyncset.done $0x0  }
0xa4: {  	s25 =	simm.s32 $0x1B8E;
	s24 =	sld [smem:$0x3FFE];
	[sflag:s23] =	ssyncadd.s32 $0xFFFFFFFF  }
0xa5: {  	s26 =	simm.s32 $execute0_lowered;
	[smem:$0x3FD2] =	sst s25  }
0xa6: {  	s5 =	sshll.u32 s26, $0x1;
	_ =	strace $0x80000049;
	[dreg:$0x1] =	wrdreg $0xFFFFFFFF  }
0xa7: {  	s28 =	simm.s32 $_size_execute0_lowered;
	s3 =	sadd.s32 s3, s5;
	[dreg:$0x0] =	wrdreg $0x0  }
0xa8: {  	s5 =	sshll.u32 s28, $0x1;
	[dreg:$0x2] =	wrdreg s3  }
0xa9: {  	[dreg:$0x3] =	wrdreg s5  }
0xaa: {  	[dreg:$0x4] =	wrdreg $0xC0  }
0xab: {  	_ =	task [dreg:s7], $0x5FFFF  }
0xac: {  	[dreg:$0x1] =	wrdreg $0xFFFFFFFF  }
0xad: {  	[dreg:$0x0] =	wrdreg $0x60  }
0xae: {  	[dreg:$0x2] =	wrdreg s24  }
0xaf: {  	[dreg:$0x3] =	wrdreg s2  }
0xb0: {  	[dreg:$0x4] =	wrdreg $0x9  }
0xb1: {  	_ =	task.clear_ibuf [dreg:s7], $0x5FFFF;
	_ =	strace $0x90000049  }
0xb2: {  	s29 =	simm.s32 $0x9;
	_ =	strace $0x8000004B  }
0xb3: {  	_ =	swait.ge [sflag:s29], $0x1  }
0xb4: {  	[sflag:s29] =	ssyncadd.s32 $0xFFFFFFFF  }
0xb5: {  	_ =	strace $0x9000004B  }
0xb6: {  	_ =	sfence  }
0xb7: {  	s30 =	sld [smem:$0x0];
	_ =	sdelay $0x2  }
0xb8: {  	s31 =	sshll.u32 s1, $0xD;
	s1 =	sshrl.u32 s1, $0x2  }
0xb9: {  	s3 =	sand.u32 $0x4000, s31;
	s1 =	sadd.s32 s1, s30  }
0xba: {  	s0 =	sor.u32 s3, s0;
	s1 =	sshll.u32 s1, $0x11  }
0xbb: {  	s0 =	sor.u32 s1, s0  }
0xbc: {  	s0 =	sadd.s32 $0x8F2B, s0  }
0xbd: {  	[sflag:s0] =	ssyncadd.remote.s32 $0x1  }
0xbe: {  	_ =	sfence.sel $0xFFFF  }
0xbf: {  	[dreg:$0x0] =	wrdreg $0xFFFFFFFF;
	(pc) =	sbr.abs _section_cstart, $3  }
0xc0: {  	[dreg:$0x1] =	wrdreg $0xFFFFFFFF  }
0xc1: {  	_ =	task.clear_ibuf [dreg:s7], $0x2FFFF;
	_ =	strace $0x9FFFFFFF  }
0xc2: {  	(tm) =	ssettm $0x7FFFFFFF  }
0xc3: {  	_ =	shalt  }
tec
execute0_lowered:
.L_overlay_start_1:
0x0: {  	(tag) =	ssettag $0x1  }
0x1: {  	s1 =	srdreg.scid  }
0x2: {  	s0 =	stileid.u32;
	s6 =	rddreg [dreg:$0x0]  }
0x3: {  	s4 =	rddreg [dreg:$0x1];
	s18 =	simm.s32 $0x880;
	s19 =	simm.s32 $0x1080  }
0x4: {  	s20 =	simm.s32 $0x1880;
	s22 =	simm.s32 $0x2080;
	s23 =	simm.s32 $0x2880  }
0x5: {  	s7 =	simm.s32 $0x3080;
	s24 =	simm.s32 $0x3880;
	s8 =	simm.s32 $0x4080  }
0x6: {  	s25 =	simm.s32 $0x4880;
	s26 =	simm.s32 $0x5080;
	s1 =	sand.u32 $0x1, s1  }
0x7: {  	s9 =	simm.s32 $0x80;
	s2 =	sshll.u32 s0, $0x7;
	s3 =	sshll.u32 s1, $0x6  }
0x8: {  	s11 =	simm.s32 $0x6080;
	s3 =	sor.u32 s3, s2;
	s2 =	simm.s32 $0x0  }
0x9: {  	s12 =	simm.s32 $0x6880;
	s13 =	simm.s32 $0x7080;
	[smem:$0x7FF] =	sst s2  }
0xa: {  	s14 =	simm.s32 $0x7880;
	_ =	strace $0x8000004A;
	[dreg:$0x5] =	wrdreg s18  }
0xb: {  	s15 =	simm.s32 $0x8080;
	s16 =	simm.s32 $0x8880;
	[dreg:$0x6] =	wrdreg s19  }
0xc: {  	s17 =	simm.s32 $0x9080;
	s28 =	simm.s32 $0xE080;
	[dreg:$0x7] =	wrdreg s20  }
0xd: {  	s29 =	simm.s32 $0xE880;
	s30 =	simm.s32 $0xF080;
	[dreg:$0x8] =	wrdreg s22  }
0xe: {  	s31 =	simm.s32 $0xF880;
	s1 =	ssub.s32 $0x2, s1;
	[dreg:$0x9] =	wrdreg s23  }
0xf: {  	s21 =	sshrl.u32 s1, $0x1;
	s5 =	sshrl.u32 s3, $0x3;
	[dreg:$0xa] =	wrdreg s7  }
0x10: {  	s3 =	sshll.u32 s3, $0x7;
	s1 =	ssub.s32 s1, s21;
	[dreg:$0xb] =	wrdreg s24  }
0x11: {  	s21 =	simm.s32 $0xB080;
	s5 =	sadd.s32 s5, s6;
	[dreg:$0xc] =	wrdreg s8  }
0x12: {  	s3 =	sadd.s32 s4, s3;
	s4 =	sadd.s32 $0x2500, s6;
	[dreg:$0xd] =	wrdreg s25  }
0x13: {  	s7 =	smax.u32 s1, $0x1;
	s8 =	simm.s32 $0x2;
	[dreg:$0xe] =	wrdreg s26  }
0x14: {  	s18 =	simm.s32 $0x9880;
	s19 =	simm.s32 $0xA080;
	s20 =	simm.s32 $0xA880  }
0x15: {  	s22 =	simm.s32 $0xB880;
	s23 =	simm.s32 $0xC080;
	s24 =	simm.s32 $0xC880  }
0x16: {  	v2 =	vlaneseq.u32;
	s25 =	simm.s32 $0xD080;
	s26 =	simm.s32 $0xD880;
	s1 =	simm.s32 $0x1  }
0x17: {  	vm0 =	vmmov $0xffff;
	v1 =	vshrl.u32 v2, $0x3;
	s5 =	sadd.s32 $0x2200, s5;
	[dreg:$0x4] =	wrdreg s3;
	s3 =	sadd.s32 $0x2400, s6  }
0x18: {  	v0 =	vand.u32 $0x7, v2;
	v2 =	vor.u32 $0x8, v2;
	v1 =	vmul.u32 $0x8, v1;
	[dreg:$0x3] =	wrdreg s5;
	s5 =	sadd.s32 $0x2600, s6;
	s6 =	sadd.s32 $0x2700, s6  }
.LBB2_1:
0x19: {  	s0 =	rddreg [dreg:$0x3]  }
0x1a: {  	[tilespmem:s2], [sflag:$0x2] =	stream.linear.gather [hbm4b:s0+s2], $0x40, $0x38;
	[tilespmem:$0x10080] =	vst v63  }
0x1b: {  	_ =	swait.ge [sflag:s8], $0x40  }
0x1c: {  	[sflag:s8] =	ssyncset.done $0x0  }
0x1d: {  	[sflag:s8] =	ssyncadd.s32 $0xFFFFFFC0  }
0x1e: {  	v3 =	vld [tilespmem:$0x0];
	_ =	sdelay $0x4  }
0x1f: {  	v4 =	vshll.u32 v3, $0x3  }
0x20: {  	v3 =	vand.u32 $0x7, v3;
	v4 =	vand.u32 $0xFFFFFFC0, v4  }
0x21: {  	v3 =	vor.u32 v3, v4  }
0x22: {  	v4 =	vperm.xlane v3, v0;
	_ =	sdelay $0x1  }
0x23: {  	v4 =	vadd.s32 v1, v4;
	_ =	sdelay $0x4  }
0x24: {  	[tilespmem:s9], [sflag:$0x1] =	stream.indirect_vreg.gather [hbm4b:s3+s2], $0x80, v4, vm0, $0xb8;
	[tilespmem:$0x10080] =	vst v63  }
0x25: {  	s0 =	rddreg [dreg:$0x5];
	v3 =	vperm.xlane v3, v2  }
0x26: {  	[tilespmem:s0], [sflag:$0x1] =	stream.indirect_vreg.gather [hbm4b:s4+s2], $0x80, v4, vm0, $0xb8;
	[tilespmem:$0x10080] =	vst v63  }
0x27: {  	s10 =	rddreg [dreg:$0x6];
	v3 =	vadd.s32 v1, v3  }
0x28: {  	[tilespmem:s10], [sflag:$0x1] =	stream.indirect_vreg.gather [hbm4b:s5+s2], $0x80, v4, vm0, $0xb8;
	[tilespmem:$0x10080] =	vst v63  }
0x29: {  	s0 =	rddreg [dreg:$0x7]  }
0x2a: {  	[tilespmem:s0], [sflag:$0x1] =	stream.indirect_vreg.gather [hbm4b:s6+s2], $0x80, v4, vm0, $0xb8;
	[tilespmem:$0x10080] =	vst v63  }
0x2b: {  	s10 =	rddreg [dreg:$0x8]  }
0x2c: {  	[tilespmem:s10], [sflag:$0x1] =	stream.indirect_vreg.gather [hbm4b:s3+s2], $0x80, v3, vm0, $0xb8;
	[tilespmem:$0x10080] =	vst v63  }
0x2d: {  	s0 =	rddreg [dreg:$0x9]  }
0x2e: {  	[tilespmem:s0], [sflag:$0x1] =	stream.indirect_vreg.gather [hbm4b:s4+s2], $0x80, v3, vm0, $0xb8;
	[tilespmem:$0x10080] =	vst v63  }
0x2f: {  	s10 =	rddreg [dreg:$0xa]  }
0x30: {  	[tilespmem:s10], [sflag:$0x1] =	stream.indirect_vreg.gather [hbm4b:s5+s2], $0x80, v3, vm0, $0xb8;
	[tilespmem:$0x10080] =	vst v63  }
0x31: {  	s0 =	rddreg [dreg:$0xb]  }
0x32: {  	[tilespmem:s0], [sflag:$0x1] =	stream.indirect_vreg.gather [hbm4b:s6+s2], $0x80, v3, vm0, $0xb8;
	[tilespmem:$0x10080] =	vst v63  }
0x33: {  	v3 =	vld [tilespmem:$0x10];
	_ =	sdelay $0x4  }
0x34: {  	v61 =	vshll.u32 v3, $0x3  }
0x35: {  	v3 =	vand.u32 $0x7, v3;
	v4 =	vand.u32 $0xFFFFFFC0, v61  }
0x36: {  	v3 =	vor.u32 v3, v4  }
0x37: {  	v4 =	vperm.xlane v3, v0;
	_ =	sdelay $0x1  }
0x38: {  	v4 =	vadd.s32 v1, v4;
	_ =	sdelay $0x3  }
0x39: {  	s0 =	rddreg [dreg:$0xc]  }
0x3a: {  	[tilespmem:s0], [sflag:$0x1] =	stream.indirect_vreg.gather [hbm4b:s3+s2], $0x80, v4, vm0, $0xb8;
	[tilespmem:$0x10080] =	vst v63  }
0x3b: {  	s10 =	rddreg [dreg:$0xd];
	v3 =	vperm.xlane v3, v2  }
0x3c: {  	[tilespmem:s10], [sflag:$0x1] =	stream.indirect_vreg.gather [hbm4b:s4+s2], $0x80, v4, vm0, $0xb8;
	[tilespmem:$0x10080] =	vst v63  }
0x3d: {  	v3 =	vadd.s32 v1, v3;
	s0 =	rddreg [dreg:$0xe]  }
0x3e: {  	[tilespmem:s0], [sflag:$0x1] =	stream.indirect_vreg.gather [hbm4b:s5+s2], $0x80, v4, vm0, $0xb8;
	[tilespmem:$0x10080] =	vst v63  }
0x3f: {  	s10 =	simm.s32 $0x5880  }
0x40: {  	[tilespmem:s10], [sflag:$0x1] =	stream.indirect_vreg.gather [hbm4b:s6+s2], $0x80, v4, vm0, $0xb8;
	[tilespmem:$0x10080] =	vst v63  }
0x41: {  	_ = 	snop  }
0x42: {  	[tilespmem:s11], [sflag:$0x1] =	stream.indirect_vreg.gather [hbm4b:s3+s2], $0x80, v3, vm0, $0xb8;
	[tilespmem:$0x10080] =	vst v63  }
0x43: {  	_ = 	snop  }
0x44: {  	[tilespmem:s12], [sflag:$0x1] =	stream.indirect_vreg.gather [hbm4b:s4+s2], $0x80, v3, vm0, $0xb8;
	[tilespmem:$0x10080] =	vst v63  }
0x45: {  	_ = 	snop  }
0x46: {  	[tilespmem:s13], [sflag:$0x1] =	stream.indirect_vreg.gather [hbm4b:s5+s2], $0x80, v3, vm0, $0xb8;
	[tilespmem:$0x10080] =	vst v63  }
0x47: {  	_ = 	snop  }
0x48: {  	[tilespmem:s14], [sflag:$0x1] =	stream.indirect_vreg.gather [hbm4b:s6+s2], $0x80, v3, vm0, $0xb8;
	[tilespmem:$0x10080] =	vst v63  }
0x49: {  	v3 =	vld [tilespmem:$0x20];
	_ =	sdelay $0x4  }
0x4a: {  	v62 =	vshll.u32 v3, $0x3  }
0x4b: {  	v3 =	vand.u32 $0x7, v3;
	v4 =	vand.u32 $0xFFFFFFC0, v62  }
0x4c: {  	v3 =	vor.u32 v3, v4  }
0x4d: {  	v4 =	vperm.xlane v3, v0;
	_ =	sdelay $0x1  }
0x4e: {  	v4 =	vadd.s32 v1, v4;
	_ =	sdelay $0x4  }
0x4f: {  	[tilespmem:s15], [sflag:$0x1] =	stream.indirect_vreg.gather [hbm4b:s3+s2], $0x80, v4, vm0, $0xb8;
	[tilespmem:$0x10080] =	vst v63  }
0x50: {  	v3 =	vperm.xlane v3, v2  }
0x51: {  	[tilespmem:s16], [sflag:$0x1] =	stream.indirect_vreg.gather [hbm4b:s4+s2], $0x80, v4, vm0, $0xb8;
	[tilespmem:$0x10080] =	vst v63  }
0x52: {  	v3 =	vadd.s32 v1, v3  }
0x53: {  	[tilespmem:s17], [sflag:$0x1] =	stream.indirect_vreg.gather [hbm4b:s5+s2], $0x80, v4, vm0, $0xb8;
	[tilespmem:$0x10080] =	vst v63  }
0x54: {  	_ = 	snop  }
0x55: {  	[tilespmem:s18], [sflag:$0x1] =	stream.indirect_vreg.gather [hbm4b:s6+s2], $0x80, v4, vm0, $0xb8;
	[tilespmem:$0x10080] =	vst v63  }
0x56: {  	_ = 	snop  }
0x57: {  	[tilespmem:s19], [sflag:$0x1] =	stream.indirect_vreg.gather [hbm4b:s3+s2], $0x80, v3, vm0, $0xb8;
	[tilespmem:$0x10080] =	vst v63  }
0x58: {  	_ = 	snop  }
0x59: {  	[tilespmem:s20], [sflag:$0x1] =	stream.indirect_vreg.gather [hbm4b:s4+s2], $0x80, v3, vm0, $0xb8;
	[tilespmem:$0x10080] =	vst v63  }
0x5a: {  	_ = 	snop  }
0x5b: {  	[tilespmem:s21], [sflag:$0x1] =	stream.indirect_vreg.gather [hbm4b:s5+s2], $0x80, v3, vm0, $0xb8;
	[tilespmem:$0x10080] =	vst v63  }
0x5c: {  	_ = 	snop  }
0x5d: {  	[tilespmem:s22], [sflag:$0x1] =	stream.indirect_vreg.gather [hbm4b:s6+s2], $0x80, v3, vm0, $0xb8;
	[tilespmem:$0x10080] =	vst v63  }
0x5e: {  	v3 =	vld [tilespmem:$0x30];
	_ =	sdelay $0x4  }
0x5f: {  	v63 =	vshll.u32 v3, $0x3  }
0x60: {  	v3 =	vand.u32 $0x7, v3;
	v4 =	vand.u32 $0xFFFFFFC0, v63  }
0x61: {  	v3 =	vor.u32 v3, v4  }
0x62: {  	v4 =	vperm.xlane v3, v0;
	_ =	sdelay $0x1  }
0x63: {  	v4 =	vadd.s32 v1, v4;
	_ =	sdelay $0x4  }
0x64: {  	[tilespmem:s23], [sflag:$0x1] =	stream.indirect_vreg.gather [hbm4b:s3+s2], $0x80, v4, vm0, $0xb8;
	[tilespmem:$0x10080] =	vst v63  }
0x65: {  	v3 =	vperm.xlane v3, v2  }
0x66: {  	[tilespmem:s24], [sflag:$0x1] =	stream.indirect_vreg.gather [hbm4b:s4+s2], $0x80, v4, vm0, $0xb8;
	[tilespmem:$0x10080] =	vst v63  }
0x67: {  	v3 =	vadd.s32 v1, v3  }
0x68: {  	[tilespmem:s25], [sflag:$0x1] =	stream.indirect_vreg.gather [hbm4b:s5+s2], $0x80, v4, vm0, $0xb8;
	[tilespmem:$0x10080] =	vst v63  }
0x69: {  	_ = 	snop  }
0x6a: {  	[tilespmem:s26], [sflag:$0x1] =	stream.indirect_vreg.gather [hbm4b:s6+s2], $0x80, v4, vm0, $0xb8;
	[tilespmem:$0x10080] =	vst v63  }
0x6b: {  	_ = 	snop  }
0x6c: {  	[tilespmem:s28], [sflag:$0x1] =	stream.indirect_vreg.gather [hbm4b:s3+s2], $0x80, v3, vm0, $0xb8;
	[tilespmem:$0x10080] =	vst v63  }
0x6d: {  	_ = 	snop  }
0x6e: {  	[tilespmem:s29], [sflag:$0x1] =	stream.indirect_vreg.gather [hbm4b:s4+s2], $0x80, v3, vm0, $0xb8;
	[tilespmem:$0x10080] =	vst v63  }
0x6f: {  	_ = 	snop  }
0x70: {  	[tilespmem:s30], [sflag:$0x1] =	stream.indirect_vreg.gather [hbm4b:s5+s2], $0x80, v3, vm0, $0xb8;
	[tilespmem:$0x10080] =	vst v63  }
0x71: {  	_ = 	snop  }
0x72: {  	[tilespmem:s31], [sflag:$0x1] =	stream.indirect_vreg.gather [hbm4b:s6+s2], $0x80, v3, vm0, $0xb8;
	[tilespmem:$0x10080] =	vst v63  }
0x73: {  	_ =	swait.ge [sflag:s1], $0x10000  }
0x74: {  	p0 =	sne.s32 s7, $0x1;
	[sflag:s1] =	ssyncset.done $0x0  }
.Ltmp0:
0x75: {  	s10 =	rddreg [dreg:$0x4];
	[sflag:s1] =	ssyncadd.s32 $0xFFFF0000;
	(pc) =	sbr.rel @p0 .LBB2_1-.Ltmp0, $4  }
0x76: {  	[hbm4b:s10+s2] =	stream.linear.scatter [tilespmem:s9], [sflag:$0x2], $0x10000, $0x38;
	[tilespmem:$0x10080] =	vst v63  }
0x77: {  	_ =	swait.ge [sflag:s8], $0x10000  }
0x78: {  	[sflag:s8] =	ssyncset.done $0x0  }
0x79: {  	s7 =	sadd.s32 $0xFFFFFFFF, s7;
	[sflag:s8] =	ssyncadd.s32 $0xFFFF0000  }
0x7a: {  	_ =	sfence.sel $0x180000  }
0x7b: {  	[bflag:$0x0] =	sbarrier.arrive $0xFFFF  }
0x7c: {  	_ =	strace $0x9000004A  }
0x7d: {  	s0 =	stileid.u32;
	[bflag:$0x2] =	sbarrier.arrive $0xFFFF  }
0x7e: {  	p0 =	sne.s32 s0, $0x0;
	s0 =	rddreg [dreg:$0x2]  }
0x7f: {  	s0 =	sadd.s32 @!p0 $0x100000, s0  }
0x80: {  	[sflag:s0] =	ssyncadd.tile.s32 @!p0 $0x1;
	_ =	shalt  }
.Lfunc_end2:
_tile_overlayer_lowered:
.L_overlay_start_2:
0x81: {  	(tag) =	ssettag $0x2  }
0x82: {  	s0 =	rddreg [dreg:$0x0];
	s2 =	stileid.u32  }
0x83: {  	s1 =	rddreg [dreg:$0x1];
	p0 =	sne.s32 s2, $0x0  }
0x84: {  	s3 =	rddreg [dreg:$0x2];
	[bflag:$0x3] =	sbarrier.arrive $0xFFFF;
	s2 =	simm.s32 @!p0 $0x1C02  }
0x85: {  	[timem:s3], [sflag:s2] =	dma.local @!p0 [hbm:s0], s1  }
0x86: {  	s0 =	simm.s32 @!p0 $0x2  }
0x87: {  	_ =	swait.ge @!p0 [sflag:s0], s1  }
0x88: {  	s1 =	ssub.s32 @!p0 $0x0, s1;
	[sflag:s0] =	ssyncset.done @!p0 $0x0  }
0x89: {  	[sflag:s0] =	ssyncadd.s32 @!p0 s1  }
0x8a: {  	[bflag:$0x3] =	sbarrier.arrive $0xFFFF  }
0x8b: {  	_ =	shalt  }

// kernel: kernel.7.cloned.1.call-start
scs
__scs_entry_jumppad:
0x0: {  	(pc) =	sbr.rel $0x88, $3  }
0x1: {  	(tag) =	ssettag $0x0;
	lr =	simm.s32 $0x1  }
0x2: {  	[smem:$0x3F99] =	sst lr;
	_ =	strace $0xD0000000  }
0x3: {  	_ = 	snop  }
0x4: {  	_ = 	snop  }
0x5: {  	_ = 	snop  }
0x6: {  	_ = 	snop  }
0x7: {  	_ = 	snop  }
__scs_overlays_trampoline_lowered:
0x8: {  	[smem:$0x3FA8] =	sst s0  }
0x9: {  	[smem:$0x3FA9] =	sst s1  }
0xa: {  	[smem:$0x3FAA] =	sst s2  }
0xb: {  	[smem:$0x3FAB] =	sst s3  }
0xc: {  	[smem:$0x3FAC] =	sst s4  }
0xd: {  	[smem:$0x3FAD] =	sst s5  }
0xe: {  	[smem:$0x3FAE] =	sst s6  }
0xf: {  	[smem:$0x3FAF] =	sst s7  }
0x10: {  	[smem:$0x3FB0] =	sst s8  }
0x11: {  	[smem:$0x3FB1] =	sst s9;
	s0 =	simm.s32 @!p0 $0x0  }
0x12: {  	s1 =	sld [smem:$0x3F97];
	s0 =	simm.s32 @p0 $0x1  }
0x13: {  	[smem:$0x3FB2] =	sst s0;
	s0 =	simm.s32 @!p1 $0x0  }
0x14: {  	s2 =	sld [smem:$0x3F96];
	s0 =	simm.s32 @p1 $0x1  }
0x15: {  	[smem:$0x3FB3] =	sst s0;
	s0 =	simm.s32 @!p2 $0x0  }
0x16: {  	s3 =	sld [smem:$0x3FDB];
	s0 =	simm.s32 @p2 $0x1  }
0x17: {  	s4 =	simm.s32 $0x1BF5;
	[smem:$0x3FB5] =	sst s0  }
0x18: {  	s0 =	sld [smem:$0x3F98];
	_ =	swait.ge [sflag:s4], $0x0  }
0x19: {  	s7 =	sld [smem:$0x3F99]  }
0x1a: {  	s8 =	sadd.s32 $0xFFFFE003, lr  }
0x1b: {  	s9 =	sadd.s32 $0xFFFFFEF7, lr;
	s5 =	simm.s32 $0xFFFFFFFF;
	p2 =	slt.u32 s8, $0xFFFFF086  }
0x1c: {  	p1 =	slt.u32 s9, $0xF7A;
	s5 =	simm.s32 @!p2 $0x0  }
0x1d: {  	s5 =	simm.s32 @p1 $0x1;
	p0 =	seq.s32 s7, s2  }
0x1e: {  	s7 =	smul.u32 @!p0 $0xF7A, s2;
	p2 =	seq.s32 @!p0 s5, $0x0  }
0x1f: {  	s9 =	smul.u32 $0xF7A, s1;
	s8 =	simm.s32 @!p0 $0x1BF5;
	p2 =	por !p2, p0  }
0x20: {  	[sflag:s8] =	ssyncset.s32 @!p0 $0xFFFFF086;
	s6 =	sadd.s32 @!p0 s3, s7;
	s7 =	simm.s32 @!p0 $0x108  }
0x21: {  	s3 =	sadd.s32 s3, s9;
	s6 =	sadd.s32 @!p0 $0x88, s6;
	s7 =	simm.s32 @p2 $0x1082  }
0x22: {  	[simem:s7], [sflag:s8] =	dma.local @!p0 [hbm:s6], $0xF7A  }
0x23: {  	s9 =	sor.u32 $0xD0000000, s2;
	s6 =	simm.s32 $0x108;
	_ =	swait.ge @!p0 [sflag:s8], $0x0  }
0x24: {  	s3 =	sadd.s32 $0x88, s3;
	s6 =	simm.s32 @!p1 $0x1082;
	[sflag:s4] =	ssyncset.s32 $0xFFFFF086  }
0x25: {  	[simem:s6], [sflag:s4] =	dma.local [hbm:s3], $0xF7A  }
0x26: {  	[smem:$0x3F99] =	sst s1;
	(tag) =	ssettag s2;
	_ =	strace s9  }
0x27: {  	s1 =	sld [smem:$0x3FA9]  }
0x28: {  	s2 =	sld [smem:$0x3FAA]  }
0x29: {  	s4 =	sld [smem:$0x3FAC]  }
0x2a: {  	p0 =	seq.s32 s5, $0x0;
	s5 =	sld [smem:$0x3FAD]  }
0x2b: {  	s6 =	sld [smem:$0x3FAE]  }
0x2c: {  	s7 =	sld [smem:$0x3FAF]  }
0x2d: {  	s3 =	simm.s32 $0x108;
	s8 =	sld [smem:$0x3FB0]  }
0x2e: {  	s3 =	simm.s32 @!p0 $0x1082;
	s9 =	sld [smem:$0x3FB1]  }
0x2f: {  	lr =	sadd.s32 s0, s3;
	s0 =	sld [smem:$0x3FA8]  }
0x30: {  	s3 =	sld [smem:$0x3FAB]  }
0x31: {  	[smem:$0x3FB4] =	sst s10  }
0x32: {  	s10 =	sld [smem:$0x3FB2];
	_ =	sdelay $0x3  }
0x33: {  	p0 =	seq.s32 s10, $0x1;
	s10 =	sld [smem:$0x3FB4];
	_ =	sdelay $0x3  }
0x34: {  	[smem:$0x3FB4] =	sst s10  }
0x35: {  	s10 =	sld [smem:$0x3FB3];
	_ =	sdelay $0x3  }
0x36: {  	p1 =	seq.s32 s10, $0x1;
	s10 =	sld [smem:$0x3FB4];
	_ =	sdelay $0x3  }
0x37: {  	[smem:$0x3FB4] =	sst s10  }
0x38: {  	s10 =	sld [smem:$0x3FB5]  }
0x39: {  	_ = 	snop;
	(pc) =	sbr.ind lr, $3  }
0x3a: {  	_ = 	snop  }
0x3b: {  	_ = 	snop  }
0x3c: {  	p2 =	seq.s32 s10, $0x1;
	s10 =	sld [smem:$0x3FB4]  }
0x3d: {  	_ =	shalt  }
0x3e: {  	_ =	shalt  }
0x3f: {  	_ =	shalt  }
0x40: {  	_ =	shalt  }
0x41: {  	_ =	shalt  }
0x42: {  	_ =	shalt  }
0x43: {  	_ =	shalt  }
0x44: {  	_ =	shalt  }
0x45: {  	_ =	shalt  }
0x46: {  	_ =	shalt  }
0x47: {  	_ =	shalt  }
0x48: {  	_ =	shalt  }
0x49: {  	_ =	shalt  }
0x4a: {  	_ =	shalt  }
0x4b: {  	_ =	shalt  }
0x4c: {  	_ =	shalt  }
0x4d: {  	_ =	shalt  }
0x4e: {  	_ =	shalt  }
0x4f: {  	_ =	shalt  }
0x50: {  	_ =	shalt  }
0x51: {  	_ =	shalt  }
0x52: {  	_ =	shalt  }
0x53: {  	_ =	shalt  }
0x54: {  	_ =	shalt  }
0x55: {  	_ =	shalt  }
0x56: {  	_ =	shalt  }
0x57: {  	_ =	shalt  }
0x58: {  	_ =	shalt  }
0x59: {  	_ =	shalt  }
0x5a: {  	_ =	shalt  }
0x5b: {  	_ =	shalt  }
0x5c: {  	_ =	shalt  }
0x5d: {  	_ =	shalt  }
0x5e: {  	_ =	shalt  }
0x5f: {  	_ =	shalt  }
0x60: {  	_ =	shalt  }
0x61: {  	_ =	shalt  }
0x62: {  	_ =	shalt  }
0x63: {  	_ =	shalt  }
0x64: {  	_ =	shalt  }
0x65: {  	_ =	shalt  }
0x66: {  	_ =	shalt  }
0x67: {  	_ =	shalt  }
0x68: {  	_ =	shalt  }
0x69: {  	_ =	shalt  }
0x6a: {  	_ =	shalt  }
0x6b: {  	_ =	shalt  }
0x6c: {  	_ =	shalt  }
0x6d: {  	_ =	shalt  }
0x6e: {  	_ =	shalt  }
0x6f: {  	_ =	shalt  }
0x70: {  	_ =	shalt  }
0x71: {  	_ =	shalt  }
0x72: {  	_ =	shalt  }
0x73: {  	_ =	shalt  }
0x74: {  	_ =	shalt  }
0x75: {  	_ =	shalt  }
0x76: {  	_ =	shalt  }
0x77: {  	_ =	shalt  }
0x78: {  	_ =	shalt  }
0x79: {  	_ =	shalt  }
0x7a: {  	_ =	shalt  }
0x7b: {  	_ =	shalt  }
0x7c: {  	_ =	shalt  }
0x7d: {  	_ =	shalt  }
0x7e: {  	_ =	shalt  }
0x7f: {  	_ =	shalt  }
0x80: {  	_ =	shalt  }
0x81: {  	_ =	shalt  }
0x82: {  	_ =	shalt  }
0x83: {  	_ =	shalt  }
0x84: {  	_ =	shalt  }
0x85: {  	_ =	shalt  }
0x86: {  	_ =	shalt  }
0x87: {  	_ =	shalt  }
.Lfunc_end0:
.L_simem_size_0:
called_computation_lowered:
.L_overlay_start_0:
0x88: {  	s2 =	sld [smem:$0x3FD9]  }
0x89: {  	s3 =	sld [smem:$0x3FFE];
	_ =	sdelay $0x1  }
0x8a: {  	s1 =	srdreg.scid  }
0x8b: {  	s0 =	sand.u32 $0x1, s1  }
0x8c: {  	s17 =	sshll.u32 s0, $0xA;
	s2 =	sadd.s32 s3, s2  }
0x8d: {  	s2 =	sadd.s32 s2, s17  }
0x8e: {  	[smem:$0x3FC0] =	sst s2  }
0x8f: {  	_ = 	snop  }
0x90: {  	s2 =	sld [smem:$0x3FC9];
	(tm) =	ssettm $0x1  }
0x91: {  	s18 =	sld [smem:$0x3FFB];
	_ =	sdelay $0x3  }
0x92: {  	_ =	strace s18  }
0x93: {  	s3 =	sld [smem:$0x3FFC];
	_ =	sdelay $0x3  }
0x94: {  	_ =	strace s3  }
0x95: {  	s3 =	sld [smem:$0x3FFD];
	_ =	sdelay $0x3  }
0x96: {  	_ =	strace s3  }
0x97: {  	_ =	strace $0x8FFFFFFF  }
0x98: {  	s19 =	sld [smem:$0x3FDB];
	_ =	sdelay $0x1  }
0x99: {  	s4 =	simm.s32 $_scs_section_size  }
0x9a: {  	s5 =	simm.s32 $_size__tile_overlayer_lowered;
	s6 =	simm.s32 $_tile_overlayer_lowered  }
0x9b: {  	s22 =	simm.s32 $0x1BFF;
	s21 =	sshll.u32 s6, $0x1;
	s3 =	sadd.s32 s4, s19  }
0x9c: {  	s7 =	simm.s32 $0x0;
	s20 =	sshll.u32 s5, $0x1;
	s5 =	sadd.s32 s21, s3  }
0x9d: {  	[timem:s7], [sflag:s22] =	dma.local [hbm:s5], s20  }
0x9e: {  	_ =	swait.ge [sflag:s22], s20  }
0x9f: {  	s4 =	ssub.s32 $0x0, s20;
	[sflag:s22] =	ssyncset.done $0x0  }
0xa0: {  	[sflag:s22] =	ssyncadd.s32 s4;
	_ =	sdelay $0x1  }
0xa1: {  	s23 =	simm.s32 $0x1B8B  }
0xa2: {  	_ =	swait.ge [sflag:s23], $0x1  }
0xa3: {  	[sflag:s23] =	ssyncset.done $0x0  }
0xa4: {  	s25 =	simm.s32 $0x1B8E;
	s24 =	sld [smem:$0x3FFE];
	[sflag:s23] =	ssyncadd.s32 $0xFFFFFFFF  }
0xa5: {  	s26 =	simm.s32 $execute0_lowered;
	[smem:$0x3FD2] =	sst s25  }
0xa6: {  	s5 =	sshll.u32 s26, $0x1;
	_ =	strace $0x80000046;
	[dreg:$0x1] =	wrdreg $0xFFFFFFFF  }
0xa7: {  	s28 =	simm.s32 $_size_execute0_lowered;
	s3 =	sadd.s32 s3, s5;
	[dreg:$0x0] =	wrdreg $0x0  }
0xa8: {  	s5 =	sshll.u32 s28, $0x1;
	[dreg:$0x2] =	wrdreg s3  }
0xa9: {  	[dreg:$0x3] =	wrdreg s5  }
0xaa: {  	[dreg:$0x4] =	wrdreg $0xC0  }
0xab: {  	_ =	task [dreg:s7], $0x5FFFF  }
0xac: {  	[dreg:$0x1] =	wrdreg $0xFFFFFFFF  }
0xad: {  	[dreg:$0x0] =	wrdreg $0x60  }
0xae: {  	[dreg:$0x2] =	wrdreg s2  }
0xaf: {  	[dreg:$0x3] =	wrdreg s24  }
0xb0: {  	[dreg:$0x4] =	wrdreg $0x9  }
0xb1: {  	_ =	task.clear_ibuf [dreg:s7], $0x5FFFF;
	_ =	strace $0x90000046  }
0xb2: {  	s29 =	simm.s32 $0x9;
	_ =	strace $0x80000048  }
0xb3: {  	_ =	swait.ge [sflag:s29], $0x1  }
0xb4: {  	[sflag:s29] =	ssyncadd.s32 $0xFFFFFFFF  }
0xb5: {  	_ =	strace $0x90000048  }
0xb6: {  	_ =	sfence  }
0xb7: {  	s30 =	sld [smem:$0x0];
	_ =	sdelay $0x2  }
0xb8: {  	s31 =	sshll.u32 s1, $0xD;
	s1 =	sshrl.u32 s1, $0x2  }
0xb9: {  	s3 =	sand.u32 $0x4000, s31;
	s1 =	sadd.s32 s1, s30  }
0xba: {  	s0 =	sor.u32 s3, s0;
	s1 =	sshll.u32 s1, $0x11  }
0xbb: {  	s0 =	sor.u32 s1, s0  }
0xbc: {  	s0 =	sadd.s32 $0x8F2B, s0  }
0xbd: {  	[sflag:s0] =	ssyncadd.remote.s32 $0x1  }
0xbe: {  	_ =	sfence.sel $0xFFFF  }
0xbf: {  	[dreg:$0x0] =	wrdreg $0xFFFFFFFF;
	(pc) =	sbr.abs _section_cstart, $3  }
0xc0: {  	[dreg:$0x1] =	wrdreg $0xFFFFFFFF  }
0xc1: {  	_ =	task.clear_ibuf [dreg:s7], $0x2FFFF;
	_ =	strace $0x9FFFFFFF  }
0xc2: {  	(tm) =	ssettm $0x7FFFFFFF  }
0xc3: {  	_ =	shalt  }
tec
execute0_lowered:
.L_overlay_start_1:
0x0: {  	(tag) =	ssettag $0x1  }
0x1: {  	s1 =	srdreg.scid  }
0x2: {  	s0 =	stileid.u32;
	s3 =	rddreg [dreg:$0x0]  }
0x3: {  	s6 =	rddreg [dreg:$0x1];
	s18 =	simm.s32 $0x880;
	s19 =	simm.s32 $0x1080  }
0x4: {  	s20 =	simm.s32 $0x1880;
	s22 =	simm.s32 $0x2080;
	s23 =	simm.s32 $0x2880  }
0x5: {  	s7 =	simm.s32 $0x3080;
	s24 =	simm.s32 $0x3880;
	s8 =	simm.s32 $0x4080  }
0x6: {  	s25 =	simm.s32 $0x4880;
	s26 =	simm.s32 $0x5080;
	s1 =	sand.u32 $0x1, s1  }
0x7: {  	s9 =	simm.s32 $0x80;
	s2 =	sshll.u32 s0, $0x7;
	s4 =	sshll.u32 s1, $0x6  }
0x8: {  	s11 =	simm.s32 $0x6080;
	s4 =	sor.u32 s4, s2;
	s2 =	simm.s32 $0x0  }
0x9: {  	s12 =	simm.s32 $0x6880;
	s13 =	simm.s32 $0x7080;
	[smem:$0x7FF] =	sst s2  }
0xa: {  	s14 =	simm.s32 $0x7880;
	_ =	strace $0x80000047;
	[dreg:$0x5] =	wrdreg s18  }
0xb: {  	s15 =	simm.s32 $0x8080;
	s16 =	simm.s32 $0x8880;
	[dreg:$0x6] =	wrdreg s19  }
0xc: {  	s17 =	simm.s32 $0x9080;
	s28 =	simm.s32 $0xE080;
	[dreg:$0x7] =	wrdreg s20  }
0xd: {  	s29 =	simm.s32 $0xE880;
	s30 =	simm.s32 $0xF080;
	[dreg:$0x8] =	wrdreg s22  }
0xe: {  	s31 =	simm.s32 $0xF880;
	s1 =	ssub.s32 $0x2, s1;
	[dreg:$0x9] =	wrdreg s23  }
0xf: {  	s21 =	sshrl.u32 s1, $0x1;
	s5 =	sshrl.u32 s4, $0x3;
	[dreg:$0xa] =	wrdreg s7  }
0x10: {  	s4 =	sshll.u32 s4, $0x7;
	s1 =	ssub.s32 s1, s21;
	[dreg:$0xb] =	wrdreg s24  }
0x11: {  	s21 =	simm.s32 $0xB080;
	s5 =	sadd.s32 s5, s6;
	[dreg:$0xc] =	wrdreg s8  }
0x12: {  	s3 =	sadd.s32 s3, s4;
	s4 =	sadd.s32 $0x2500, s6;
	[dreg:$0xd] =	wrdreg s25  }
0x13: {  	s7 =	smax.u32 s1, $0x1;
	s8 =	simm.s32 $0x2;
	[dreg:$0xe] =	wrdreg s26  }
0x14: {  	s18 =	simm.s32 $0x9880;
	s19 =	simm.s32 $0xA080;
	s20 =	simm.s32 $0xA880  }
0x15: {  	s22 =	simm.s32 $0xB880;
	s23 =	simm.s32 $0xC080;
	s24 =	simm.s32 $0xC880  }
0x16: {  	v2 =	vlaneseq.u32;
	s25 =	simm.s32 $0xD080;
	s26 =	simm.s32 $0xD880;
	s1 =	simm.s32 $0x1  }
0x17: {  	vm0 =	vmmov $0xffff;
	v1 =	vshrl.u32 v2, $0x3;
	s5 =	sadd.s32 $0x2200, s5;
	[dreg:$0x4] =	wrdreg s3;
	s3 =	sadd.s32 $0x2400, s6  }
0x18: {  	v0 =	vand.u32 $0x7, v2;
	v2 =	vor.u32 $0x8, v2;
	v1 =	vmul.u32 $0x8, v1;
	[dreg:$0x3] =	wrdreg s5;
	s5 =	sadd.s32 $0x2600, s6;
	s6 =	sadd.s32 $0x2700, s6  }
.LBB2_1:
0x19: {  	s0 =	rddreg [dreg:$0x3]  }
0x1a: {  	[tilespmem:s2], [sflag:$0x2] =	stream.linear.gather [hbm4b:s0+s2], $0x40, $0x38;
	[tilespmem:$0x10080] =	vst v63  }
0x1b: {  	_ =	swait.ge [sflag:s8], $0x40  }
0x1c: {  	[sflag:s8] =	ssyncset.done $0x0  }
0x1d: {  	s10 =	rddreg [dreg:$0x4];
	[sflag:s8] =	ssyncadd.s32 $0xFFFFFFC0  }
0x1e: {  	[tilespmem:s9], [sflag:$0x2] =	stream.linear.gather [hbm4b:s10+s2], $0x10000, $0x38;
	[tilespmem:$0x10080] =	vst v63  }
0x1f: {  	_ =	swait.ge [sflag:s8], $0x10000  }
0x20: {  	[sflag:s8] =	ssyncset.done $0x0  }
0x21: {  	[sflag:s8] =	ssyncadd.s32 $0xFFFF0000  }
0x22: {  	v3 =	vld [tilespmem:$0x0];
	_ =	sdelay $0x4  }
0x23: {  	v4 =	vshll.u32 v3, $0x3  }
0x24: {  	v3 =	vand.u32 $0x7, v3;
	v4 =	vand.u32 $0xFFFFFFC0, v4  }
0x25: {  	v3 =	vor.u32 v3, v4  }
0x26: {  	v4 =	vperm.xlane v3, v0;
	_ =	sdelay $0x1  }
0x27: {  	v4 =	vadd.s32 v1, v4;
	_ =	sdelay $0x4  }
0x28: {  	[hbm4b:s3+s2] =	stream.indirect_vreg.scatter [tilespmem:s9], [sflag:$0x1], $0x80, v4, vm0, $0xb8;
	[tilespmem:$0x10080] =	vst v63  }
0x29: {  	s0 =	rddreg [dreg:$0x5];
	v3 =	vperm.xlane v3, v2  }
0x2a: {  	[hbm4b:s4+s2] =	stream.indirect_vreg.scatter [tilespmem:s0], [sflag:$0x1], $0x80, v4, vm0, $0xb8;
	[tilespmem:$0x10080] =	vst v63  }
0x2b: {  	s10 =	rddreg [dreg:$0x6];
	v3 =	vadd.s32 v1, v3  }
0x2c: {  	[hbm4b:s5+s2] =	stream.indirect_vreg.scatter [tilespmem:s10], [sflag:$0x1], $0x80, v4, vm0, $0xb8;
	[tilespmem:$0x10080] =	vst v63  }
0x2d: {  	s0 =	rddreg [dreg:$0x7]  }
0x2e: {  	[hbm4b:s6+s2] =	stream.indirect_vreg.scatter [tilespmem:s0], [sflag:$0x1], $0x80, v4, vm0, $0xb8;
	[tilespmem:$0x10080] =	vst v63  }
0x2f: {  	s10 =	rddreg [dreg:$0x8]  }
0x30: {  	[hbm4b:s3+s2] =	stream.indirect_vreg.scatter [tilespmem:s10], [sflag:$0x1], $0x80, v3, vm0, $0xb8;
	[tilespmem:$0x10080] =	vst v63  }
0x31: {  	s0 =	rddreg [dreg:$0x9]  }
0x32: {  	[hbm4b:s4+s2] =	stream.indirect_vreg.scatter [tilespmem:s0], [sflag:$0x1], $0x80, v3, vm0, $0xb8;
	[tilespmem:$0x10080] =	vst v63  }
0x33: {  	s10 =	rddreg [dreg:$0xa]  }
0x34: {  	[hbm4b:s5+s2] =	stream.indirect_vreg.scatter [tilespmem:s10], [sflag:$0x1], $0x80, v3, vm0, $0xb8;
	[tilespmem:$0x10080] =	vst v63  }
0x35: {  	s0 =	rddreg [dreg:$0xb]  }
0x36: {  	[hbm4b:s6+s2] =	stream.indirect_vreg.scatter [tilespmem:s0], [sflag:$0x1], $0x80, v3, vm0, $0xb8;
	[tilespmem:$0x10080] =	vst v63  }
0x37: {  	v3 =	vld [tilespmem:$0x10];
	_ =	sdelay $0x4  }
0x38: {  	v61 =	vshll.u32 v3, $0x3  }
0x39: {  	v3 =	vand.u32 $0x7, v3;
	v4 =	vand.u32 $0xFFFFFFC0, v61  }
0x3a: {  	v3 =	vor.u32 v3, v4  }
0x3b: {  	v4 =	vperm.xlane v3, v0;
	_ =	sdelay $0x1  }
0x3c: {  	v4 =	vadd.s32 v1, v4;
	_ =	sdelay $0x3  }
0x3d: {  	s0 =	rddreg [dreg:$0xc]  }
0x3e: {  	[hbm4b:s3+s2] =	stream.indirect_vreg.scatter [tilespmem:s0], [sflag:$0x1], $0x80, v4, vm0, $0xb8;
	[tilespmem:$0x10080] =	vst v63  }
0x3f: {  	s10 =	rddreg [dreg:$0xd];
	v3 =	vperm.xlane v3, v2  }
0x40: {  	[hbm4b:s4+s2] =	stream.indirect_vreg.scatter [tilespmem:s10], [sflag:$0x1], $0x80, v4, vm0, $0xb8;
	[tilespmem:$0x10080] =	vst v63  }
0x41: {  	v3 =	vadd.s32 v1, v3;
	s0 =	rddreg [dreg:$0xe]  }
0x42: {  	[hbm4b:s5+s2] =	stream.indirect_vreg.scatter [tilespmem:s0], [sflag:$0x1], $0x80, v4, vm0, $0xb8;
	[tilespmem:$0x10080] =	vst v63  }
0x43: {  	s10 =	simm.s32 $0x5880  }
0x44: {  	[hbm4b:s6+s2] =	stream.indirect_vreg.scatter [tilespmem:s10], [sflag:$0x1], $0x80, v4, vm0, $0xb8;
	[tilespmem:$0x10080] =	vst v63  }
0x45: {  	_ = 	snop  }
0x46: {  	[hbm4b:s3+s2] =	stream.indirect_vreg.scatter [tilespmem:s11], [sflag:$0x1], $0x80, v3, vm0, $0xb8;
	[tilespmem:$0x10080] =	vst v63  }
0x47: {  	_ = 	snop  }
0x48: {  	[hbm4b:s4+s2] =	stream.indirect_vreg.scatter [tilespmem:s12], [sflag:$0x1], $0x80, v3, vm0, $0xb8;
	[tilespmem:$0x10080] =	vst v63  }
0x49: {  	_ = 	snop  }
0x4a: {  	[hbm4b:s5+s2] =	stream.indirect_vreg.scatter [tilespmem:s13], [sflag:$0x1], $0x80, v3, vm0, $0xb8;
	[tilespmem:$0x10080] =	vst v63  }
0x4b: {  	_ = 	snop  }
0x4c: {  	[hbm4b:s6+s2] =	stream.indirect_vreg.scatter [tilespmem:s14], [sflag:$0x1], $0x80, v3, vm0, $0xb8;
	[tilespmem:$0x10080] =	vst v63  }
0x4d: {  	v3 =	vld [tilespmem:$0x20];
	_ =	sdelay $0x4  }
0x4e: {  	v62 =	vshll.u32 v3, $0x3  }
0x4f: {  	v3 =	vand.u32 $0x7, v3;
	v4 =	vand.u32 $0xFFFFFFC0, v62  }
0x50: {  	v3 =	vor.u32 v3, v4  }
0x51: {  	v4 =	vperm.xlane v3, v0;
	_ =	sdelay $0x1  }
0x52: {  	v4 =	vadd.s32 v1, v4;
	_ =	sdelay $0x4  }
0x53: {  	[hbm4b:s3+s2] =	stream.indirect_vreg.scatter [tilespmem:s15], [sflag:$0x1], $0x80, v4, vm0, $0xb8;
	[tilespmem:$0x10080] =	vst v63  }
0x54: {  	v3 =	vperm.xlane v3, v2  }
0x55: {  	[hbm4b:s4+s2] =	stream.indirect_vreg.scatter [tilespmem:s16], [sflag:$0x1], $0x80, v4, vm0, $0xb8;
	[tilespmem:$0x10080] =	vst v63  }
0x56: {  	v3 =	vadd.s32 v1, v3  }
0x57: {  	[hbm4b:s5+s2] =	stream.indirect_vreg.scatter [tilespmem:s17], [sflag:$0x1], $0x80, v4, vm0, $0xb8;
	[tilespmem:$0x10080] =	vst v63  }
0x58: {  	_ = 	snop  }
0x59: {  	[hbm4b:s6+s2] =	stream.indirect_vreg.scatter [tilespmem:s18], [sflag:$0x1], $0x80, v4, vm0, $0xb8;
	[tilespmem:$0x10080] =	vst v63  }
0x5a: {  	_ = 	snop  }
0x5b: {  	[hbm4b:s3+s2] =	stream.indirect_vreg.scatter [tilespmem:s19], [sflag:$0x1], $0x80, v3, vm0, $0xb8;
	[tilespmem:$0x10080] =	vst v63  }
0x5c: {  	_ = 	snop  }
0x5d: {  	[hbm4b:s4+s2] =	stream.indirect_vreg.scatter [tilespmem:s20], [sflag:$0x1], $0x80, v3, vm0, $0xb8;
	[tilespmem:$0x10080] =	vst v63  }
0x5e: {  	_ = 	snop  }
0x5f: {  	[hbm4b:s5+s2] =	stream.indirect_vreg.scatter [tilespmem:s21], [sflag:$0x1], $0x80, v3, vm0, $0xb8;
	[tilespmem:$0x10080] =	vst v63  }
0x60: {  	_ = 	snop  }
0x61: {  	[hbm4b:s6+s2] =	stream.indirect_vreg.scatter [tilespmem:s22], [sflag:$0x1], $0x80, v3, vm0, $0xb8;
	[tilespmem:$0x10080] =	vst v63  }
0x62: {  	v3 =	vld [tilespmem:$0x30];
	_ =	sdelay $0x4  }
0x63: {  	v63 =	vshll.u32 v3, $0x3  }
0x64: {  	v3 =	vand.u32 $0x7, v3;
	v4 =	vand.u32 $0xFFFFFFC0, v63  }
0x65: {  	v3 =	vor.u32 v3, v4  }
0x66: {  	v4 =	vperm.xlane v3, v0;
	_ =	sdelay $0x1  }
0x67: {  	v4 =	vadd.s32 v1, v4;
	_ =	sdelay $0x4  }
0x68: {  	[hbm4b:s3+s2] =	stream.indirect_vreg.scatter [tilespmem:s23], [sflag:$0x1], $0x80, v4, vm0, $0xb8;
	[tilespmem:$0x10080] =	vst v63  }
0x69: {  	v3 =	vperm.xlane v3, v2  }
0x6a: {  	[hbm4b:s4+s2] =	stream.indirect_vreg.scatter [tilespmem:s24], [sflag:$0x1], $0x80, v4, vm0, $0xb8;
	[tilespmem:$0x10080] =	vst v63  }
0x6b: {  	v3 =	vadd.s32 v1, v3  }
0x6c: {  	[hbm4b:s5+s2] =	stream.indirect_vreg.scatter [tilespmem:s25], [sflag:$0x1], $0x80, v4, vm0, $0xb8;
	[tilespmem:$0x10080] =	vst v63  }
0x6d: {  	_ = 	snop  }
0x6e: {  	[hbm4b:s6+s2] =	stream.indirect_vreg.scatter [tilespmem:s26], [sflag:$0x1], $0x80, v4, vm0, $0xb8;
	[tilespmem:$0x10080] =	vst v63  }
0x6f: {  	_ = 	snop  }
0x70: {  	[hbm4b:s3+s2] =	stream.indirect_vreg.scatter [tilespmem:s28], [sflag:$0x1], $0x80, v3, vm0, $0xb8;
	[tilespmem:$0x10080] =	vst v63  }
0x71: {  	_ = 	snop  }
0x72: {  	[hbm4b:s4+s2] =	stream.indirect_vreg.scatter [tilespmem:s29], [sflag:$0x1], $0x80, v3, vm0, $0xb8;
	[tilespmem:$0x10080] =	vst v63  }
0x73: {  	p0 =	sne.s32 s7, $0x1  }
0x74: {  	[hbm4b:s5+s2] =	stream.indirect_vreg.scatter [tilespmem:s30], [sflag:$0x1], $0x80, v3, vm0, $0xb8;
	[tilespmem:$0x10080] =	vst v63  }
.Ltmp0:
0x75: {  	_ = 	snop;
	(pc) =	sbr.rel @p0 .LBB2_1-.Ltmp0, $4  }
0x76: {  	[hbm4b:s6+s2] =	stream.indirect_vreg.scatter [tilespmem:s31], [sflag:$0x1], $0x80, v3, vm0, $0xb8;
	[tilespmem:$0x10080] =	vst v63  }
0x77: {  	_ =	swait.ge [sflag:s1], $0x10000  }
0x78: {  	[sflag:s1] =	ssyncset.done $0x0  }
0x79: {  	s7 =	sadd.s32 $0xFFFFFFFF, s7;
	[sflag:s1] =	ssyncadd.s32 $0xFFFF0000  }
0x7a: {  	_ =	sfence.sel $0x180000  }
0x7b: {  	[bflag:$0x0] =	sbarrier.arrive $0xFFFF  }
0x7c: {  	_ =	strace $0x90000047  }
0x7d: {  	s0 =	stileid.u32;
	[bflag:$0x2] =	sbarrier.arrive $0xFFFF  }
0x7e: {  	p0 =	sne.s32 s0, $0x0;
	s0 =	rddreg [dreg:$0x2]  }
0x7f: {  	s0 =	sadd.s32 @!p0 $0x100000, s0  }
0x80: {  	[sflag:s0] =	ssyncadd.tile.s32 @!p0 $0x1;
	_ =	shalt  }
.Lfunc_end2:
_tile_overlayer_lowered:
.L_overlay_start_2:
0x81: {  	(tag) =	ssettag $0x2  }
0x82: {  	s0 =	rddreg [dreg:$0x0];
	s2 =	stileid.u32  }
0x83: {  	s1 =	rddreg [dreg:$0x1];
	p0 =	sne.s32 s2, $0x0  }
0x84: {  	s3 =	rddreg [dreg:$0x2];
	[bflag:$0x3] =	sbarrier.arrive $0xFFFF;
	s2 =	simm.s32 @!p0 $0x1C02  }
0x85: {  	[timem:s3], [sflag:s2] =	dma.local @!p0 [hbm:s0], s1  }
0x86: {  	s0 =	simm.s32 @!p0 $0x2  }
0x87: {  	_ =	swait.ge @!p0 [sflag:s0], s1  }
0x88: {  	s1 =	ssub.s32 @!p0 $0x0, s1;
	[sflag:s0] =	ssyncset.done @!p0 $0x0  }
0x89: {  	[sflag:s0] =	ssyncadd.s32 @!p0 s1  }
0x8a: {  	[bflag:$0x3] =	sbarrier.arrive $0xFFFF  }
0x8b: {  	_ =	shalt  }

</sc_bundles>
